<compile_context>
chip_gen: v7x
topology: tpu7x:2x2x1
jax: 0.10.2.dev20260603
libtpu: 0.0.44.dev20260713+nightly
codegen_flags: <defaults>
</compile_context>

<pallas_src>
import functools

import jax
import jax.numpy as jnp
from jax import lax
from jax.experimental import pallas as pl
from jax.experimental.pallas import tpu as pltpu
from jax.experimental.pallas import tpu_sc as plsc

NC = 2
NS = 16
CW = 128
K0 = 80
K1 = 80


def _mesh():
    return plsc.VectorSubcoreMesh(core_axis_name="c", subcore_axis_name="s",
                                  num_cores=NC, num_subcores=NS)


def _zero_fill(ref, n_words):
    def body(k, _):
        ref[pl.ds(k * 16, 16)] = jnp.zeros((16,), jnp.float32)
        return 0
    lax.fori_loop(0, n_words // 16, body, 0, unroll=4)


def _make_deg_kernel(n_pad, acc_rows, deg_rows_per_tile):
    stripe = acc_rows // NS

    @functools.partial(
        pl.kernel,
        out_type=jax.ShapeDtypeStruct((NC, n_pad), jnp.float32),
        mesh=_mesh(),
        scratch_types=[
            pltpu.VMEM_SHARED((acc_rows,), jnp.float32),
            pltpu.VMEM((deg_rows_per_tile, CW), jnp.int32),
            pltpu.VMEM((CW,), jnp.float32),
            pltpu.VMEM((stripe,), jnp.float32),
        ],
    )
    def deg_kernel(dst_hbm, out_hbm, deg_sh, dstv, ones, zbuf):
        c = lax.axis_index("c")
        s = lax.axis_index("s")
        wid = c * NS + s
        _zero_fill(zbuf, stripe)
        for k in range(CW // 16):
            ones[pl.ds(k * 16, 16)] = jnp.ones((16,), jnp.float32)
        pltpu.sync_copy(zbuf, deg_sh.at[pl.ds(s * stripe, stripe)])
        plsc.subcore_barrier()
        pltpu.sync_copy(dst_hbm.at[pl.ds(wid * deg_rows_per_tile,
                                         deg_rows_per_tile)], dstv)
        def chunk(j, _):
            pltpu.sync_copy(ones, deg_sh.at[dstv.at[j]], add=True)
            return 0
        lax.fori_loop(0, deg_rows_per_tile, chunk, 0)
        plsc.subcore_barrier()
        @pl.when(s == 0)
        def _():
            pltpu.sync_copy(deg_sh.at[pl.ds(0, n_pad)], out_hbm.at[c])

    return deg_kernel


def _make_conv_kernel(n_pad, d, acc_rows):
    stripe = acc_rows // NS
    out_stripe = n_pad // NS
    kmax = max(K0, K1)

    @functools.partial(
        pl.kernel,
        out_type=jax.ShapeDtypeStruct((NC, n_pad, d), jnp.float32),
        mesh=_mesh(),
        scratch_types=[
            pltpu.VMEM_SHARED((acc_rows, d), jnp.float32),
            pltpu.VMEM((kmax, CW), jnp.int32),
            pltpu.VMEM((kmax, CW), jnp.int32),
            pltpu.VMEM((CW, d), jnp.float32),
            pltpu.SemaphoreType.DMA,
        ],
    )
    def conv_kernel(h_hbm, src_hbm, dst_hbm, out_hbm,
                    acc_sh, srcv, dstv, rows, sem):
        c = lax.axis_index("c")
        s = lax.axis_index("s")
        base = jnp.where(c == 0, s * K0, NS * K0 + s * K1)
        nrows = jnp.where(c == 0, K0, K1)
        def zrow(k, _):
            rows[k // (d // 16), pl.ds((k % (d // 16)) * 16, 16)] = (
                jnp.zeros((16,), jnp.float32))
            return 0
        lax.fori_loop(0, CW * (d // 16), zrow, 0, unroll=4)
        for r in range(stripe // CW):
            pltpu.sync_copy(rows, acc_sh.at[pl.ds(s * stripe + r * CW, CW)])
        pltpu.sync_copy(src_hbm.at[pl.ds(base, kmax)], srcv)
        pltpu.sync_copy(dst_hbm.at[pl.ds(base, kmax)], dstv)
        plsc.subcore_barrier()
        def chunk(j, _):
            pltpu.async_copy(h_hbm.at[srcv.at[j]], rows, sem).wait()
            pltpu.sync_copy(rows, acc_sh.at[dstv.at[j]], add=True)
            return 0
        lax.fori_loop(0, nrows, chunk, 0)
        plsc.subcore_barrier()
        pltpu.sync_copy(acc_sh.at[pl.ds(s * out_stripe, out_stripe)],
                        out_hbm.at[c, pl.ds(s * out_stripe, out_stripe)])

    return conv_kernel


def _tc1_body(n, n_pad, deg_ref, x_ref, w_ref, dinv_ref, hp_ref):
    deg = deg_ref[0] + deg_ref[1] + 1.0
    dinv = lax.rsqrt(deg)
    dinv_ref[...] = dinv
    h = jnp.dot(x_ref[...], w_ref[...], preferred_element_type=jnp.float32)
    hp_ref[0:n, :] = h * dinv[0:n]
    hp_ref[n:n_pad, :] = jnp.zeros((n_pad - n, h.shape[1]), jnp.float32)


def _tc2_body(s_ref, hp_ref, dinv_ref, b_ref, g_ref, be_ref, w_ref,
              x1_ref, h2p_ref):
    dinv = dinv_ref[...]
    z = dinv * (s_ref[0] + s_ref[1] + hp_ref[...]) + b_ref[...]
    mu = jnp.mean(z, axis=-1, keepdims=True)
    var = jnp.mean((z - mu) ** 2, axis=-1, keepdims=True)
    zn = (z - mu) * lax.rsqrt(var + 1e-5) * g_ref[...] + be_ref[...]
    x1 = jnp.maximum(zn, 0.0)
    x1_ref[...] = x1
    h2p_ref[...] = jnp.dot(x1, w_ref[...],
                           preferred_element_type=jnp.float32) * dinv


def _tc3_body(n, s_ref, hp_ref, dinv_ref, b_ref, g_ref, be_ref, x1_ref,
              wf_ref, bf_ref, out_ref):
    dinv = dinv_ref[...]
    z = dinv * (s_ref[0] + s_ref[1] + hp_ref[...]) + b_ref[...]
    mu = jnp.mean(z, axis=-1, keepdims=True)
    var = jnp.mean((z - mu) ** 2, axis=-1, keepdims=True)
    zn = (z - mu) * lax.rsqrt(var + 1e-5) * g_ref[...] + be_ref[...]
    x2 = jnp.maximum(zn, 0.0) + x1_ref[...]
    out = jnp.dot(x2, wf_ref[...], preferred_element_type=jnp.float32)
    out_ref[...] = out[0:n, :] + bf_ref[...]


def kernel(x, edge_index, W1, b1, g1, be1, W2, b2, g2, be2, Wf, bf):
    n, d = x.shape
    h = W1.shape[1]
    e = edge_index.shape[1]

    n_pad = ((n + 1 + 127) // 128) * 128
    acc_rows = ((n_pad + NS * CW - 1) // (NS * CW)) * NS * CW

    conv_rows = NS * (K0 + K1)
    assert conv_rows * CW >= e, "edge split must cover all edges"
    kmax = max(K0, K1)
    need = conv_rows + (kmax - min(K0, K1))
    granule = NC * NS * 8
    arr_rows = ((need + granule - 1) // granule) * granule
    deg_rows_per_tile = arr_rows // (NC * NS)
    e_pad = arr_rows * CW

    src = edge_index[0]
    dst = edge_index[1]
    pad_src = jnp.full((e_pad - e,), n, dtype=edge_index.dtype)
    pad_dst = (n + jnp.arange(e_pad - e, dtype=edge_index.dtype)
               % jnp.asarray(acc_rows - n, dtype=edge_index.dtype))
    srcr = jnp.concatenate([src, pad_src]).reshape(arr_rows, CW)
    dstr = jnp.concatenate([dst, pad_dst]).reshape(arr_rows, CW)

    deg_kernel = _make_deg_kernel(n_pad, acc_rows, deg_rows_per_tile)
    conv_kernel = _make_conv_kernel(n_pad, d, acc_rows)

    deg2 = deg_kernel(dstr)
    deg3 = deg2.reshape(NC, n_pad, 1)

    dinv, h1p = pl.pallas_call(
        functools.partial(_tc1_body, n, n_pad),
        out_shape=(jax.ShapeDtypeStruct((n_pad, 1), jnp.float32),
                   jax.ShapeDtypeStruct((n_pad, h), jnp.float32)),
    )(deg3, x, W1)

    s1 = conv_kernel(h1p, srcr, dstr)

    x1, h2p = pl.pallas_call(
        _tc2_body,
        out_shape=(jax.ShapeDtypeStruct((n_pad, h), jnp.float32),
                   jax.ShapeDtypeStruct((n_pad, h), jnp.float32)),
    )(s1, h1p, dinv, b1, g1, be1, W2)

    s2 = conv_kernel(h2p, srcr, dstr)

    out = pl.pallas_call(
        functools.partial(_tc3_body, n),
        out_shape=jax.ShapeDtypeStruct((n, Wf.shape[1]), jnp.float32),
    )(s2, h2p, dinv, b2, g2, be2, x1, Wf, bf)
    return out

# --- scband reference (transcript-rebuilt; emitter-appended) ---
"""Pipeline reference for scband-gnn-65627100283622 (READ-ONLY COPY).

The authoritative reference and input builder live on the scoring server;
editing this copy changes nothing except your own understanding.
"""

import jax, jax.numpy as jnp
import numpy as np

N = 10000
E = 320000
D = 128
H = 128


def setup_inputs(seed: int = 0) -> dict:
    key = jax.random.key(seed)
    ks = jax.random.split(key, 12)
    x = jax.random.normal(ks[0], (N, D), dtype=jnp.float32)
    edge_index = jax.random.randint(ks[1], (2, E), 0, N, dtype=jnp.int32)
    s1 = 1.0 / np.sqrt(D)
    s2 = 1.0 / np.sqrt(H)
    W1 = jax.random.normal(ks[2], (D, H), dtype=jnp.float32) * s1
    b1 = jnp.zeros((H,), dtype=jnp.float32)
    g1 = jnp.ones((H,), dtype=jnp.float32)
    be1 = jnp.zeros((H,), dtype=jnp.float32)
    W2 = jax.random.normal(ks[3], (H, H), dtype=jnp.float32) * s2
    b2 = jnp.zeros((H,), dtype=jnp.float32)
    g2 = jnp.ones((H,), dtype=jnp.float32)
    be2 = jnp.zeros((H,), dtype=jnp.float32)
    Wf = jax.random.normal(ks[4], (H, 1), dtype=jnp.float32) * s2
    bf = jnp.zeros((1,), dtype=jnp.float32)
    return {"x": x, "edge_index": edge_index, "W1": W1, "b1": b1, "g1": g1, "be1": be1,
            "W2": W2, "b2": b2, "g2": g2, "be2": be2, "Wf": Wf, "bf": bf}


def _layer_norm(h, g, b):
    mu = jnp.mean(h, axis=-1, keepdims=True)
    var = jnp.mean((h - mu) ** 2, axis=-1, keepdims=True)
    return (h - mu) / jnp.sqrt(var + 1e-5) * g + b


def _gcn_conv(x, edge_index, W, b, n_nodes):
    # GCNConv with added self-loops and symmetric normalization
    loop = jnp.arange(n_nodes, dtype=edge_index.dtype)
    src = jnp.concatenate([edge_index[0], loop])
    dst = jnp.concatenate([edge_index[1], loop])
    deg = jnp.zeros((n_nodes,), dtype=jnp.float32).at[dst].add(1.0)
    dinv = jnp.where(deg > 0, 1.0 / jnp.sqrt(deg), 0.0)
    norm = dinv[src] * dinv[dst]
    h = x @ W
    msg = jnp.take(h, src, axis=0) * norm[:, None]
    out = jnp.zeros((n_nodes, W.shape[1]), dtype=jnp.float32).at[dst].add(msg)
    return out + b


def reference(x, edge_index, W1, b1, g1, be1, W2, b2, g2, be2, Wf, bf):
    # conv1 -> layer_norm -> relu -> (dropout: identity in eval) 
    x1 = _gcn_conv(x, edge_index, W1, b1, N)
    x1 = _layer_norm(x1, g1, be1)
    x1 = jax.nn.relu(x1)
    # conv2 -> layer_norm -> relu -> residual add
    x2 = _gcn_conv(x1, edge_index, W2, b2, N)
    x2 = _layer_norm(x2, g2, be2)
    x2 = jax.nn.relu(x2)
    x2 = x2 + x1
    return x2 @ Wf + bf

if __name__ == "__main__":
    import jax
    _d = setup_inputs()
    print(jax.jit(kernel)(*tuple(_d.values())))

</pallas_src>

<mosaic_0001>
#map = affine_map<(d0, d1) -> (0, 0)>
module attributes {stable_mosaic.version = 14 : i64} {
  func.func @deg_kernel(%arg0: i32, %arg1: i32, %arg2: memref<2560x128xi32, #tpu.memory_space<hbm>>, %arg3: memref<2x10112xf32, #tpu.memory_space<hbm>>, %arg4: memref<10240xf32, #tpu.memory_space<vmem_shared>>, %arg5: memref<80x128xi32, #tpu.memory_space<vmem>>, %arg6: memref<128xf32, #tpu.memory_space<vmem>>, %arg7: memref<640xf32, #tpu.memory_space<vmem>>) attributes {dimension_semantics = [#tpu.dimension_semantics<core_parallel>, #tpu.dimension_semantics<subcore_parallel>], iteration_bounds = array<i64: 2, 16>, scalar_prefetch = 0 : i64, scratch_operands = 4 : i64, tpu.core_type = #tpu.core_type<sc_vector_subcore>, window_params = [{transform_indices = #map}, {transform_indices = #map}]} {
    %mul3A = arith.constant 16 : i32
    %mul3A_0 = arith.muli %arg0, %mul3A : i32
    %add3A = arith.addi %mul3A_0, %arg1 : i32
    %scan3A = arith.constant 0 : i32
    %scan3A_1 = arith.constant 0 : i32
    %scan3A_2 = arith.constant 40 : i32
    %scan3A_3 = arith.addi %scan3A_1, %scan3A_2 : i32
    %scan3A_4 = arith.constant 4 : i32
    %scan3A_5 = scf.for %scan3A_67 = %scan3A_1 to %scan3A_3 step %scan3A_4 iter_args(%scan3A_68 = %scan3A) -> (i32)  : i32 {
      %broadcast_in_dim3A_69 = arith.constant 0.000000e+00 : f32
      %broadcast_in_dim3A_70 = vector.broadcast %broadcast_in_dim3A_69 : f32 to vector<16xf32>
      %mul3A_71 = arith.constant 16 : i32
      %mul3A_72 = arith.muli %scan3A_67, %mul3A_71 : i32
      %swap3A_73 = arith.index_cast %mul3A_72 : i32 to index
      %swap3A_74 = tpu.vector_load %arg7[%swap3A_73] {strides = array<i32>} : memref<640xf32, #tpu.memory_space<vmem>>, vector<16xf32>,
      %swap3A_75 = vector.shape_cast %swap3A_74 : vector<16xf32> to vector<16xf32>
      %swap3A_76 = vector.shape_cast %broadcast_in_dim3A_70 : vector<16xf32> to vector<16xf32>
      tpu.vector_store %arg7[%swap3A_73], %swap3A_76 {strides = array<i32>} : memref<640xf32, #tpu.memory_space<vmem>>, vector<16xf32>,
      %scan3A_77 = arith.constant 0 : i32
      %scan3A_78 = arith.constant 1 : i32
      %scan3A_79 = arith.addi %scan3A_67, %scan3A_78 : i32
      %broadcast_in_dim3A_80 = arith.constant 0.000000e+00 : f32
      %broadcast_in_dim3A_81 = vector.broadcast %broadcast_in_dim3A_80 : f32 to vector<16xf32>
      %mul3A_82 = arith.constant 16 : i32
      %mul3A_83 = arith.muli %scan3A_79, %mul3A_82 : i32
      %swap3A_84 = arith.index_cast %mul3A_83 : i32 to index
      %swap3A_85 = tpu.vector_load %arg7[%swap3A_84] {strides = array<i32>} : memref<640xf32, #tpu.memory_space<vmem>>, vector<16xf32>,
      %swap3A_86 = vector.shape_cast %swap3A_85 : vector<16xf32> to vector<16xf32>
      %swap3A_87 = vector.shape_cast %broadcast_in_dim3A_81 : vector<16xf32> to vector<16xf32>
      tpu.vector_store %arg7[%swap3A_84], %swap3A_87 {strides = array<i32>} : memref<640xf32, #tpu.memory_space<vmem>>, vector<16xf32>,
      %scan3A_88 = arith.constant 0 : i32
      %scan3A_89 = arith.constant 2 : i32
      %scan3A_90 = arith.addi %scan3A_67, %scan3A_89 : i32
      %broadcast_in_dim3A_91 = arith.constant 0.000000e+00 : f32
      %broadcast_in_dim3A_92 = vector.broadcast %broadcast_in_dim3A_91 : f32 to vector<16xf32>
      %mul3A_93 = arith.constant 16 : i32
      %mul3A_94 = arith.muli %scan3A_90, %mul3A_93 : i32
      %swap3A_95 = arith.index_cast %mul3A_94 : i32 to index
      %swap3A_96 = tpu.vector_load %arg7[%swap3A_95] {strides = array<i32>} : memref<640xf32, #tpu.memory_space<vmem>>, vector<16xf32>,
      %swap3A_97 = vector.shape_cast %swap3A_96 : vector<16xf32> to vector<16xf32>
      %swap3A_98 = vector.shape_cast %broadcast_in_dim3A_92 : vector<16xf32> to vector<16xf32>
      tpu.vector_store %arg7[%swap3A_95], %swap3A_98 {strides = array<i32>} : memref<640xf32, #tpu.memory_space<vmem>>, vector<16xf32>,
      %scan3A_99 = arith.constant 0 : i32
      %scan3A_100 = arith.constant 3 : i32
      %scan3A_101 = arith.addi %scan3A_67, %scan3A_100 : i32
      %broadcast_in_dim3A_102 = arith.constant 0.000000e+00 : f32
      %broadcast_in_dim3A_103 = vector.broadcast %broadcast_in_dim3A_102 : f32 to vector<16xf32>
      %mul3A_104 = arith.constant 16 : i32
      %mul3A_105 = arith.muli %scan3A_101, %mul3A_104 : i32
      %swap3A_106 = arith.index_cast %mul3A_105 : i32 to index
      %swap3A_107 = tpu.vector_load %arg7[%swap3A_106] {strides = array<i32>} : memref<640xf32, #tpu.memory_space<vmem>>, vector<16xf32>,
      %swap3A_108 = vector.shape_cast %swap3A_107 : vector<16xf32> to vector<16xf32>
      %swap3A_109 = vector.shape_cast %broadcast_in_dim3A_103 : vector<16xf32> to vector<16xf32>
      tpu.vector_store %arg7[%swap3A_106], %swap3A_109 {strides = array<i32>} : memref<640xf32, #tpu.memory_space<vmem>>, vector<16xf32>,
      %scan3A_110 = arith.constant 0 : i32
      scf.yield %scan3A_110 : i32
    }
    %scan3A_6 = arith.constant 40 : i32
    %broadcast_in_dim3A = arith.constant 1.000000e+00 : f32
    %broadcast_in_dim3A_7 = vector.broadcast %broadcast_in_dim3A : f32 to vector<16xf32>
    %swap3A = arith.constant 0 : index
    %swap3A_8 = tpu.vector_load %arg6[%swap3A] {strides = array<i32>} : memref<128xf32, #tpu.memory_space<vmem>>, vector<16xf32>,
    %swap3A_9 = vector.shape_cast %swap3A_8 : vector<16xf32> to vector<16xf32>
    %swap3A_10 = vector.shape_cast %broadcast_in_dim3A_7 : vector<16xf32> to vector<16xf32>
    tpu.vector_store %arg6[%swap3A], %swap3A_10 {strides = array<i32>} : memref<128xf32, #tpu.memory_space<vmem>>, vector<16xf32>,
    %broadcast_in_dim3A_11 = arith.constant 1.000000e+00 : f32
    %broadcast_in_dim3A_12 = vector.broadcast %broadcast_in_dim3A_11 : f32 to vector<16xf32>
    %swap3A_13 = arith.constant 16 : index
    %swap3A_14 = tpu.vector_load %arg6[%swap3A_13] {strides = array<i32>} : memref<128xf32, #tpu.memory_space<vmem>>, vector<16xf32>,
    %swap3A_15 = vector.shape_cast %swap3A_14 : vector<16xf32> to vector<16xf32>
    %swap3A_16 = vector.shape_cast %broadcast_in_dim3A_12 : vector<16xf32> to vector<16xf32>
    tpu.vector_store %arg6[%swap3A_13], %swap3A_16 {strides = array<i32>} : memref<128xf32, #tpu.memory_space<vmem>>, vector<16xf32>,
    %broadcast_in_dim3A_17 = arith.constant 1.000000e+00 : f32
    %broadcast_in_dim3A_18 = vector.broadcast %broadcast_in_dim3A_17 : f32 to vector<16xf32>
    %swap3A_19 = arith.constant 32 : index
    %swap3A_20 = tpu.vector_load %arg6[%swap3A_19] {strides = array<i32>} : memref<128xf32, #tpu.memory_space<vmem>>, vector<16xf32>,
    %swap3A_21 = vector.shape_cast %swap3A_20 : vector<16xf32> to vector<16xf32>
    %swap3A_22 = vector.shape_cast %broadcast_in_dim3A_18 : vector<16xf32> to vector<16xf32>
    tpu.vector_store %arg6[%swap3A_19], %swap3A_22 {strides = array<i32>} : memref<128xf32, #tpu.memory_space<vmem>>, vector<16xf32>,
    %broadcast_in_dim3A_23 = arith.constant 1.000000e+00 : f32
    %broadcast_in_dim3A_24 = vector.broadcast %broadcast_in_dim3A_23 : f32 to vector<16xf32>
    %swap3A_25 = arith.constant 48 : index
    %swap3A_26 = tpu.vector_load %arg6[%swap3A_25] {strides = array<i32>} : memref<128xf32, #tpu.memory_space<vmem>>, vector<16xf32>,
    %swap3A_27 = vector.shape_cast %swap3A_26 : vector<16xf32> to vector<16xf32>
    %swap3A_28 = vector.shape_cast %broadcast_in_dim3A_24 : vector<16xf32> to vector<16xf32>
    tpu.vector_store %arg6[%swap3A_25], %swap3A_28 {strides = array<i32>} : memref<128xf32, #tpu.memory_space<vmem>>, vector<16xf32>,
    %broadcast_in_dim3A_29 = arith.constant 1.000000e+00 : f32
    %broadcast_in_dim3A_30 = vector.broadcast %broadcast_in_dim3A_29 : f32 to vector<16xf32>
    %swap3A_31 = arith.constant 64 : index
    %swap3A_32 = tpu.vector_load %arg6[%swap3A_31] {strides = array<i32>} : memref<128xf32, #tpu.memory_space<vmem>>, vector<16xf32>,
    %swap3A_33 = vector.shape_cast %swap3A_32 : vector<16xf32> to vector<16xf32>
    %swap3A_34 = vector.shape_cast %broadcast_in_dim3A_30 : vector<16xf32> to vector<16xf32>
    tpu.vector_store %arg6[%swap3A_31], %swap3A_34 {strides = array<i32>} : memref<128xf32, #tpu.memory_space<vmem>>, vector<16xf32>,
    %broadcast_in_dim3A_35 = arith.constant 1.000000e+00 : f32
    %broadcast_in_dim3A_36 = vector.broadcast %broadcast_in_dim3A_35 : f32 to vector<16xf32>
    %swap3A_37 = arith.constant 80 : index
    %swap3A_38 = tpu.vector_load %arg6[%swap3A_37] {strides = array<i32>} : memref<128xf32, #tpu.memory_space<vmem>>, vector<16xf32>,
    %swap3A_39 = vector.shape_cast %swap3A_38 : vector<16xf32> to vector<16xf32>
    %swap3A_40 = vector.shape_cast %broadcast_in_dim3A_36 : vector<16xf32> to vector<16xf32>
    tpu.vector_store %arg6[%swap3A_37], %swap3A_40 {strides = array<i32>} : memref<128xf32, #tpu.memory_space<vmem>>, vector<16xf32>,
    %broadcast_in_dim3A_41 = arith.constant 1.000000e+00 : f32
    %broadcast_in_dim3A_42 = vector.broadcast %broadcast_in_dim3A_41 : f32 to vector<16xf32>
    %swap3A_43 = arith.constant 96 : index
    %swap3A_44 = tpu.vector_load %arg6[%swap3A_43] {strides = array<i32>} : memref<128xf32, #tpu.memory_space<vmem>>, vector<16xf32>,
    %swap3A_45 = vector.shape_cast %swap3A_44 : vector<16xf32> to vector<16xf32>
    %swap3A_46 = vector.shape_cast %broadcast_in_dim3A_42 : vector<16xf32> to vector<16xf32>
    tpu.vector_store %arg6[%swap3A_43], %swap3A_46 {strides = array<i32>} : memref<128xf32, #tpu.memory_space<vmem>>, vector<16xf32>,
    %broadcast_in_dim3A_47 = arith.constant 1.000000e+00 : f32
    %broadcast_in_dim3A_48 = vector.broadcast %broadcast_in_dim3A_47 : f32 to vector<16xf32>
    %swap3A_49 = arith.constant 112 : index
    %swap3A_50 = tpu.vector_load %arg6[%swap3A_49] {strides = array<i32>} : memref<128xf32, #tpu.memory_space<vmem>>, vector<16xf32>,
    %swap3A_51 = vector.shape_cast %swap3A_50 : vector<16xf32> to vector<16xf32>
    %swap3A_52 = vector.shape_cast %broadcast_in_dim3A_48 : vector<16xf32> to vector<16xf32>
    tpu.vector_store %arg6[%swap3A_49], %swap3A_52 {strides = array<i32>} : memref<128xf32, #tpu.memory_space<vmem>>, vector<16xf32>,
    %mul3A_53 = arith.constant 640 : i32
    %mul3A_54 = arith.muli %arg1, %mul3A_53 : i32
    "tpu.region"() ({
      %run_scoped3A = tpu.sem_alloc : memref<!tpu.dma_semaphore, #tpu.memory_space<semaphore_mem>>
      %dma_start3A = tpu.memref_slice %arg4[%mul3A_54] : memref<10240xf32, #tpu.memory_space<vmem_shared>> -> memref<640xf32, #tpu.memory_space<vmem_shared>>
      %dma_start3A_67 = tpu.memref_slice %arg4[%mul3A_54] : memref<10240xf32, #tpu.memory_space<vmem_shared>> -> memref<640xf32, #tpu.memory_space<vmem_shared>>
      tpu.enqueue_dma source(%arg7 : memref<640xf32, #tpu.memory_space<vmem>>) target(%dma_start3A_67 : memref<640xf32, #tpu.memory_space<vmem_shared>>) target_semaphore(%run_scoped3A : memref<!tpu.dma_semaphore, #tpu.memory_space<semaphore_mem>>)
      %dma_wait3A = tpu.memref_slice %arg4[%mul3A_54] : memref<10240xf32, #tpu.memory_space<vmem_shared>> -> memref<640xf32, #tpu.memory_space<vmem_shared>>
      %dma_wait3A_68 = tpu.memref_slice %arg4[%mul3A_54] : memref<10240xf32, #tpu.memory_space<vmem_shared>> -> memref<640xf32, #tpu.memory_space<vmem_shared>>
      tpu.wait_dma2 semaphore(%run_scoped3A : memref<!tpu.dma_semaphore, #tpu.memory_space<semaphore_mem>>) src(%arg7 : memref<640xf32, #tpu.memory_space<vmem>>) dst(%dma_wait3A_68 : memref<640xf32, #tpu.memory_space<vmem_shared>>)
      tpu.yield
    }) : () -> ()
    %barrier3A = arith.constant 0 : index
    tpu.barrier barrier_id(%barrier3A)
    %mul3A_55 = arith.constant 80 : i32
    %mul3A_56 = arith.muli %add3A, %mul3A_55 : i32
    "tpu.region"() ({
      %run_scoped3A = tpu.sem_alloc : memref<!tpu.dma_semaphore, #tpu.memory_space<semaphore_mem>>
      %dma_start3A = arith.constant 0 : i32
      %dma_start3A_67 = tpu.memref_slice %arg2[%mul3A_56, %dma_start3A] : memref<2560x128xi32, #tpu.memory_space<hbm>> -> memref<80x128xi32, #tpu.memory_space<hbm>>
      %dma_start3A_68 = arith.constant 0 : i32
      %dma_start3A_69 = tpu.memref_slice %arg2[%mul3A_56, %dma_start3A_68] : memref<2560x128xi32, #tpu.memory_space<hbm>> -> memref<80x128xi32, #tpu.memory_space<hbm>>
      tpu.enqueue_dma source(%dma_start3A_69 : memref<80x128xi32, #tpu.memory_space<hbm>>) target(%arg5 : memref<80x128xi32, #tpu.memory_space<vmem>>) target_semaphore(%run_scoped3A : memref<!tpu.dma_semaphore, #tpu.memory_space<semaphore_mem>>)
      %dma_wait3A = arith.constant 0 : i32
      %dma_wait3A_70 = tpu.memref_slice %arg2[%mul3A_56, %dma_wait3A] : memref<2560x128xi32, #tpu.memory_space<hbm>> -> memref<80x128xi32, #tpu.memory_space<hbm>>
      %dma_wait3A_71 = arith.constant 0 : i32
      %dma_wait3A_72 = tpu.memref_slice %arg2[%mul3A_56, %dma_wait3A_71] : memref<2560x128xi32, #tpu.memory_space<hbm>> -> memref<80x128xi32, #tpu.memory_space<hbm>>
      tpu.wait_dma2 semaphore(%run_scoped3A : memref<!tpu.dma_semaphore, #tpu.memory_space<semaphore_mem>>) src(%dma_wait3A_72 : memref<80x128xi32, #tpu.memory_space<hbm>>) dst(%arg5 : memref<80x128xi32, #tpu.memory_space<vmem>>)
      tpu.yield
    }) : () -> ()
    %scan3A_57 = arith.constant 0 : i32
    %scan3A_58 = arith.constant 0 : i32
    %scan3A_59 = arith.constant 80 : i32
    %scan3A_60 = arith.addi %scan3A_58, %scan3A_59 : i32
    %scan3A_61 = arith.constant 1 : i32
    %scan3A_62 = scf.for %scan3A_67 = %scan3A_58 to %scan3A_60 step %scan3A_61 iter_args(%scan3A_68 = %scan3A_57) -> (i32)  : i32 {
      "tpu.region"() ({
        %run_scoped3A = tpu.sem_alloc : memref<!tpu.dma_semaphore, #tpu.memory_space<semaphore_mem>>
        %dma_start3A = arith.constant 0 : i32
        %dma_start3A_70 = tpu.memref_slice %arg5[%scan3A_67, %dma_start3A] : memref<80x128xi32, #tpu.memory_space<vmem>> -> memref<1x128xi32, #tpu.memory_space<vmem>>
        %dma_start3A_71 = tpu.memref_squeeze %dma_start3A_70 : memref<1x128xi32, #tpu.memory_space<vmem>> -> memref<128xi32, #tpu.memory_space<vmem>>
        %dma_start3A_72 = arith.constant 0 : i32
        %dma_start3A_73 = tpu.memref_slice %arg4[%dma_start3A_72] : memref<10240xf32, #tpu.memory_space<vmem_shared>> -> memref<10240xf32, #tpu.memory_space<vmem_shared>>
        tpu.enqueue_indirect_dma source(%arg6 : memref<128xf32, #tpu.memory_space<vmem>>) target(%dma_start3A_73 : memref<10240xf32, #tpu.memory_space<vmem_shared>>) offsets(%dma_start3A_71 : memref<128xi32, #tpu.memory_space<vmem>>) semaphore(%run_scoped3A : memref<!tpu.dma_semaphore, #tpu.memory_space<semaphore_mem>>) {add = true}
        %dma_wait3A = arith.constant 0 : i32
        %dma_wait3A_74 = tpu.memref_slice %arg5[%scan3A_67, %dma_wait3A] : memref<80x128xi32, #tpu.memory_space<vmem>> -> memref<1x128xi32, #tpu.memory_space<vmem>>
        %dma_wait3A_75 = tpu.memref_squeeze %dma_wait3A_74 : memref<1x128xi32, #tpu.memory_space<vmem>> -> memref<128xi32, #tpu.memory_space<vmem>>
        %dma_wait3A_76 = arith.constant 0 : i32
        %dma_wait3A_77 = tpu.memref_slice %arg4[%dma_wait3A_76] : memref<10240xf32, #tpu.memory_space<vmem_shared>> -> memref<10240xf32, #tpu.memory_space<vmem_shared>>
        tpu.wait_indirect_dma semaphore(%run_scoped3A : memref<!tpu.dma_semaphore, #tpu.memory_space<semaphore_mem>>) src(%arg6 : memref<128xf32, #tpu.memory_space<vmem>>) dst(%dma_wait3A_77 : memref<10240xf32, #tpu.memory_space<vmem_shared>>)
        tpu.yield
      }) : () -> ()
      %scan3A_69 = arith.constant 0 : i32
      scf.yield %scan3A_69 : i32
    }
    %scan3A_63 = arith.constant 80 : i32
    %barrier3A_64 = arith.constant 0 : index
    tpu.barrier barrier_id(%barrier3A_64)
    %eq3A = arith.constant 0 : i32
    %eq3A_65 = arith.cmpi eq, %arg1, %eq3A : i32
    %convert_element_type3A = arith.extui %eq3A_65 : i1 to i32
    %cond3A = arith.constant 0 : i32
    %cond3A_66 = arith.cmpi ne, %convert_element_type3A, %cond3A : i32
    scf.if %cond3A_66 {
      "tpu.region"() ({
        %run_scoped3A = tpu.sem_alloc : memref<!tpu.dma_semaphore, #tpu.memory_space<semaphore_mem>>
        %dma_start3A = arith.constant 0 : i32
        %dma_start3A_67 = tpu.memref_slice %arg3[%arg0, %dma_start3A] : memref<2x10112xf32, #tpu.memory_space<hbm>> -> memref<1x10112xf32, #tpu.memory_space<hbm>>
        %dma_start3A_68 = tpu.memref_squeeze %dma_start3A_67 : memref<1x10112xf32, #tpu.memory_space<hbm>> -> memref<10112xf32, #tpu.memory_space<hbm>>
        %dma_start3A_69 = arith.constant 0 : i32
        %dma_start3A_70 = tpu.memref_slice %arg4[%dma_start3A_69] : memref<10240xf32, #tpu.memory_space<vmem_shared>> -> memref<10112xf32, #tpu.memory_space<vmem_shared>>
        tpu.enqueue_dma source(%dma_start3A_70 : memref<10112xf32, #tpu.memory_space<vmem_shared>>) target(%dma_start3A_68 : memref<10112xf32, #tpu.memory_space<hbm>>) target_semaphore(%run_scoped3A : memref<!tpu.dma_semaphore, #tpu.memory_space<semaphore_mem>>)
        %dma_wait3A = arith.constant 0 : i32
        %dma_wait3A_71 = tpu.memref_slice %arg3[%arg0, %dma_wait3A] : memref<2x10112xf32, #tpu.memory_space<hbm>> -> memref<1x10112xf32, #tpu.memory_space<hbm>>
        %dma_wait3A_72 = tpu.memref_squeeze %dma_wait3A_71 : memref<1x10112xf32, #tpu.memory_space<hbm>> -> memref<10112xf32, #tpu.memory_space<hbm>>
        %dma_wait3A_73 = arith.constant 0 : i32
        %dma_wait3A_74 = tpu.memref_slice %arg4[%dma_wait3A_73] : memref<10240xf32, #tpu.memory_space<vmem_shared>> -> memref<10112xf32, #tpu.memory_space<vmem_shared>>
        tpu.wait_dma2 semaphore(%run_scoped3A : memref<!tpu.dma_semaphore, #tpu.memory_space<semaphore_mem>>) src(%dma_wait3A_74 : memref<10112xf32, #tpu.memory_space<vmem_shared>>) dst(%dma_wait3A_72 : memref<10112xf32, #tpu.memory_space<hbm>>)
        tpu.yield
      }) : () -> ()
    } else {
    }
    return
  }
}

#map = affine_map<(d0, d1) -> (0, 0)>
#map1 = affine_map<(d0, d1) -> (0, 0, 0)>
module attributes {stable_mosaic.version = 14 : i64} {
  func.func @conv_kernel(%arg0: i32, %arg1: i32, %arg2: memref<10112x128xf32, #tpu.memory_space<hbm>>, %arg3: memref<2560x128xi32, #tpu.memory_space<hbm>>, %arg4: memref<2560x128xi32, #tpu.memory_space<hbm>>, %arg5: memref<2x10112x128xf32, #tpu.memory_space<hbm>>, %arg6: memref<10240x128xf32, #tpu.memory_space<vmem_shared>>, %arg7: memref<80x128xi32, #tpu.memory_space<vmem>>, %arg8: memref<80x128xi32, #tpu.memory_space<vmem>>, %arg9: memref<128x128xf32, #tpu.memory_space<vmem>>, %arg10: memref<!tpu.dma_semaphore, #tpu.memory_space<semaphore_mem>>) attributes {dimension_semantics = [#tpu.dimension_semantics<core_parallel>, #tpu.dimension_semantics<subcore_parallel>], iteration_bounds = array<i64: 2, 16>, scalar_prefetch = 0 : i64, scratch_operands = 5 : i64, tpu.core_type = #tpu.core_type<sc_vector_subcore>, window_params = [{transform_indices = #map}, {transform_indices = #map}, {transform_indices = #map}, {transform_indices = #map1}]} {
    %eq3A = arith.constant 0 : i32
    %eq3A_0 = arith.cmpi eq, %arg0, %eq3A : i32
    %mul3A = arith.constant 80 : i32
    %mul3A_1 = arith.muli %arg1, %mul3A : i32
    %mul3A_2 = arith.constant 80 : i32
    %mul3A_3 = arith.muli %arg1, %mul3A_2 : i32
    %add3A = arith.constant 1280 : i32
    %add3A_4 = arith.addi %add3A, %mul3A_3 : i32
    %select_n3A = arith.select %eq3A_0, %mul3A_1, %add3A_4 : i32
    %eq3A_5 = arith.constant 0 : i32
    %eq3A_6 = arith.cmpi eq, %arg0, %eq3A_5 : i32
    %jit3A = arith.constant 80 : i32
    %jit3A_7 = arith.constant 80 : i32
    %select_n3A_8 = arith.select %eq3A_6, %jit3A, %jit3A_7 : i32
    %scan3A = arith.constant 0 : i32
    %scan3A_9 = arith.constant 0 : i32
    %scan3A_10 = arith.constant 1024 : i32
    %scan3A_11 = arith.addi %scan3A_9, %scan3A_10 : i32
    %scan3A_12 = arith.constant 4 : i32
    %scan3A_13 = scf.for %scan3A_51 = %scan3A_9 to %scan3A_11 step %scan3A_12 iter_args(%scan3A_52 = %scan3A) -> (i32)  : i32 {
      %broadcast_in_dim3A = arith.constant 0.000000e+00 : f32
      %broadcast_in_dim3A_53 = vector.broadcast %broadcast_in_dim3A : f32 to vector<16xf32>
      %jit3A_54 = arith.constant 8 : i32
      %div3A = arith.divsi %scan3A_51, %jit3A_54 : i32
      %sign3A = arith.constant 0 : i32
      %sign3A_55 = arith.cmpi sgt, %scan3A_51, %sign3A : i32
      %sign3A_56 = arith.extui %sign3A_55 : i1 to i32
      %sign3A_57 = arith.constant 0 : i32
      %sign3A_58 = arith.cmpi slt, %scan3A_51, %sign3A_57 : i32
      %sign3A_59 = arith.extui %sign3A_58 : i1 to i32
      %sign3A_60 = arith.subi %sign3A_56, %sign3A_59 : i32
      %sign3A_61 = arith.constant 0 : i32
      %sign3A_62 = arith.cmpi sgt, %jit3A_54, %sign3A_61 : i32
      %sign3A_63 = arith.extui %sign3A_62 : i1 to i32
      %sign3A_64 = arith.constant 0 : i32
      %sign3A_65 = arith.cmpi slt, %jit3A_54, %sign3A_64 : i32
      %sign3A_66 = arith.extui %sign3A_65 : i1 to i32
      %sign3A_67 = arith.subi %sign3A_63, %sign3A_66 : i32
      %ne3A = arith.cmpi ne, %sign3A_60, %sign3A_67 : i32
      %rem3A = arith.remsi %scan3A_51, %jit3A_54 : i32
      %ne3A_68 = arith.constant 0 : i32
      %ne3A_69 = arith.cmpi ne, %rem3A, %ne3A_68 : i32
      %and3A = arith.andi %ne3A, %ne3A_69 : i1
      %sub3A = arith.constant 1 : i32
      %sub3A_70 = arith.subi %div3A, %sub3A : i32
      %select_n3A_71 = arith.select %and3A, %sub3A_70, %div3A : i32
      %jit3A_72 = arith.constant 8 : i32
      %eq3A_73 = arith.constant 0 : i32
      %eq3A_74 = arith.cmpi eq, %jit3A_72, %eq3A_73 : i32
      %jit3A_75 = arith.constant 1 : i32
      %select_n3A_76 = arith.select %eq3A_74, %jit3A_75, %jit3A_72 : i32
      %rem3A_77 = arith.remsi %scan3A_51, %select_n3A_76 : i32
      %ne3A_78 = arith.constant 0 : i32
      %ne3A_79 = arith.cmpi ne, %rem3A_77, %ne3A_78 : i32
      %lt3A = arith.constant 0 : i32
      %lt3A_80 = arith.cmpi slt, %rem3A_77, %lt3A : i32
      %lt3A_81 = arith.constant 0 : i32
      %lt3A_82 = arith.cmpi slt, %select_n3A_76, %lt3A_81 : i32
      %ne3A_83 = arith.xori %lt3A_80, %lt3A_82 : i1
      %and3A_84 = arith.andi %ne3A_83, %ne3A_79 : i1
      %add3A_85 = arith.addi %rem3A_77, %select_n3A_76 : i32
      %select_n3A_86 = arith.select %and3A_84, %add3A_85, %rem3A_77 : i32
      %mul3A_87 = arith.constant 16 : i32
      %mul3A_88 = arith.muli %select_n3A_86, %mul3A_87 : i32
      %swap3A = arith.index_cast %select_n3A_71 : i32 to index
      %swap3A_89 = arith.index_cast %mul3A_88 : i32 to index
      %swap3A_90 = tpu.vector_load %arg9[%swap3A, %swap3A_89] {strides = array<i32>} : memref<128x128xf32, #tpu.memory_space<vmem>>, vector<1x16xf32>,
      %swap3A_91 = vector.shape_cast %swap3A_90 : vector<1x16xf32> to vector<16xf32>
      %swap3A_92 = vector.shape_cast %broadcast_in_dim3A_53 : vector<16xf32> to vector<1x16xf32>
      tpu.vector_store %arg9[%swap3A, %swap3A_89], %swap3A_92 {strides = array<i32>} : memref<128x128xf32, #tpu.memory_space<vmem>>, vector<1x16xf32>,
      %scan3A_93 = arith.constant 0 : i32
      %scan3A_94 = arith.constant 1 : i32
      %scan3A_95 = arith.addi %scan3A_51, %scan3A_94 : i32
      %broadcast_in_dim3A_96 = arith.constant 0.000000e+00 : f32
      %broadcast_in_dim3A_97 = vector.broadcast %broadcast_in_dim3A_96 : f32 to vector<16xf32>
      %jit3A_98 = arith.constant 8 : i32
      %div3A_99 = arith.divsi %scan3A_95, %jit3A_98 : i32
      %sign3A_100 = arith.constant 0 : i32
      %sign3A_101 = arith.cmpi sgt, %scan3A_95, %sign3A_100 : i32
      %sign3A_102 = arith.extui %sign3A_101 : i1 to i32
      %sign3A_103 = arith.constant 0 : i32
      %sign3A_104 = arith.cmpi slt, %scan3A_95, %sign3A_103 : i32
      %sign3A_105 = arith.extui %sign3A_104 : i1 to i32
      %sign3A_106 = arith.subi %sign3A_102, %sign3A_105 : i32
      %sign3A_107 = arith.constant 0 : i32
      %sign3A_108 = arith.cmpi sgt, %jit3A_98, %sign3A_107 : i32
      %sign3A_109 = arith.extui %sign3A_108 : i1 to i32
      %sign3A_110 = arith.constant 0 : i32
      %sign3A_111 = arith.cmpi slt, %jit3A_98, %sign3A_110 : i32
      %sign3A_112 = arith.extui %sign3A_111 : i1 to i32
      %sign3A_113 = arith.subi %sign3A_109, %sign3A_112 : i32
      %ne3A_114 = arith.cmpi ne, %sign3A_106, %sign3A_113 : i32
      %rem3A_115 = arith.remsi %scan3A_95, %jit3A_98 : i32
      %ne3A_116 = arith.constant 0 : i32
      %ne3A_117 = arith.cmpi ne, %rem3A_115, %ne3A_116 : i32
      %and3A_118 = arith.andi %ne3A_114, %ne3A_117 : i1
      %sub3A_119 = arith.constant 1 : i32
      %sub3A_120 = arith.subi %div3A_99, %sub3A_119 : i32
      %select_n3A_121 = arith.select %and3A_118, %sub3A_120, %div3A_99 : i32
      %jit3A_122 = arith.constant 8 : i32
      %eq3A_123 = arith.constant 0 : i32
      %eq3A_124 = arith.cmpi eq, %jit3A_122, %eq3A_123 : i32
      %jit3A_125 = arith.constant 1 : i32
      %select_n3A_126 = arith.select %eq3A_124, %jit3A_125, %jit3A_122 : i32
      %rem3A_127 = arith.remsi %scan3A_95, %select_n3A_126 : i32
      %ne3A_128 = arith.constant 0 : i32
      %ne3A_129 = arith.cmpi ne, %rem3A_127, %ne3A_128 : i32
      %lt3A_130 = arith.constant 0 : i32
      %lt3A_131 = arith.cmpi slt, %rem3A_127, %lt3A_130 : i32
      %lt3A_132 = arith.constant 0 : i32
      %lt3A_133 = arith.cmpi slt, %select_n3A_126, %lt3A_132 : i32
      %ne3A_134 = arith.xori %lt3A_131, %lt3A_133 : i1
      %and3A_135 = arith.andi %ne3A_134, %ne3A_129 : i1
      %add3A_136 = arith.addi %rem3A_127, %select_n3A_126 : i32
      %select_n3A_137 = arith.select %and3A_135, %add3A_136, %rem3A_127 : i32
      %mul3A_138 = arith.constant 16 : i32
      %mul3A_139 = arith.muli %select_n3A_137, %mul3A_138 : i32
      %swap3A_140 = arith.index_cast %select_n3A_121 : i32 to index
      %swap3A_141 = arith.index_cast %mul3A_139 : i32 to index
      %swap3A_142 = tpu.vector_load %arg9[%swap3A_140, %swap3A_141] {strides = array<i32>} : memref<128x128xf32, #tpu.memory_space<vmem>>, vector<1x16xf32>,
      %swap3A_143 = vector.shape_cast %swap3A_142 : vector<1x16xf32> to vector<16xf32>
      %swap3A_144 = vector.shape_cast %broadcast_in_dim3A_97 : vector<16xf32> to vector<1x16xf32>
      tpu.vector_store %arg9[%swap3A_140, %swap3A_141], %swap3A_144 {strides = array<i32>} : memref<128x128xf32, #tpu.memory_space<vmem>>, vector<1x16xf32>,
      %scan3A_145 = arith.constant 0 : i32
      %scan3A_146 = arith.constant 2 : i32
      %scan3A_147 = arith.addi %scan3A_51, %scan3A_146 : i32
      %broadcast_in_dim3A_148 = arith.constant 0.000000e+00 : f32
      %broadcast_in_dim3A_149 = vector.broadcast %broadcast_in_dim3A_148 : f32 to vector<16xf32>
      %jit3A_150 = arith.constant 8 : i32
      %div3A_151 = arith.divsi %scan3A_147, %jit3A_150 : i32
      %sign3A_152 = arith.constant 0 : i32
      %sign3A_153 = arith.cmpi sgt, %scan3A_147, %sign3A_152 : i32
      %sign3A_154 = arith.extui %sign3A_153 : i1 to i32
      %sign3A_155 = arith.constant 0 : i32
      %sign3A_156 = arith.cmpi slt, %scan3A_147, %sign3A_155 : i32
      %sign3A_157 = arith.extui %sign3A_156 : i1 to i32
      %sign3A_158 = arith.subi %sign3A_154, %sign3A_157 : i32
      %sign3A_159 = arith.constant 0 : i32
      %sign3A_160 = arith.cmpi sgt, %jit3A_150, %sign3A_159 : i32
      %sign3A_161 = arith.extui %sign3A_160 : i1 to i32
      %sign3A_162 = arith.constant 0 : i32
      %sign3A_163 = arith.cmpi slt, %jit3A_150, %sign3A_162 : i32
      %sign3A_164 = arith.extui %sign3A_163 : i1 to i32
      %sign3A_165 = arith.subi %sign3A_161, %sign3A_164 : i32
      %ne3A_166 = arith.cmpi ne, %sign3A_158, %sign3A_165 : i32
      %rem3A_167 = arith.remsi %scan3A_147, %jit3A_150 : i32
      %ne3A_168 = arith.constant 0 : i32
      %ne3A_169 = arith.cmpi ne, %rem3A_167, %ne3A_168 : i32
      %and3A_170 = arith.andi %ne3A_166, %ne3A_169 : i1
      %sub3A_171 = arith.constant 1 : i32
      %sub3A_172 = arith.subi %div3A_151, %sub3A_171 : i32
      %select_n3A_173 = arith.select %and3A_170, %sub3A_172, %div3A_151 : i32
      %jit3A_174 = arith.constant 8 : i32
      %eq3A_175 = arith.constant 0 : i32
      %eq3A_176 = arith.cmpi eq, %jit3A_174, %eq3A_175 : i32
      %jit3A_177 = arith.constant 1 : i32
      %select_n3A_178 = arith.select %eq3A_176, %jit3A_177, %jit3A_174 : i32
      %rem3A_179 = arith.remsi %scan3A_147, %select_n3A_178 : i32
      %ne3A_180 = arith.constant 0 : i32
      %ne3A_181 = arith.cmpi ne, %rem3A_179, %ne3A_180 : i32
      %lt3A_182 = arith.constant 0 : i32
      %lt3A_183 = arith.cmpi slt, %rem3A_179, %lt3A_182 : i32
      %lt3A_184 = arith.constant 0 : i32
      %lt3A_185 = arith.cmpi slt, %select_n3A_178, %lt3A_184 : i32
      %ne3A_186 = arith.xori %lt3A_183, %lt3A_185 : i1
      %and3A_187 = arith.andi %ne3A_186, %ne3A_181 : i1
      %add3A_188 = arith.addi %rem3A_179, %select_n3A_178 : i32
      %select_n3A_189 = arith.select %and3A_187, %add3A_188, %rem3A_179 : i32
      %mul3A_190 = arith.constant 16 : i32
      %mul3A_191 = arith.muli %select_n3A_189, %mul3A_190 : i32
      %swap3A_192 = arith.index_cast %select_n3A_173 : i32 to index
      %swap3A_193 = arith.index_cast %mul3A_191 : i32 to index
      %swap3A_194 = tpu.vector_load %arg9[%swap3A_192, %swap3A_193] {strides = array<i32>} : memref<128x128xf32, #tpu.memory_space<vmem>>, vector<1x16xf32>,
      %swap3A_195 = vector.shape_cast %swap3A_194 : vector<1x16xf32> to vector<16xf32>
      %swap3A_196 = vector.shape_cast %broadcast_in_dim3A_149 : vector<16xf32> to vector<1x16xf32>
      tpu.vector_store %arg9[%swap3A_192, %swap3A_193], %swap3A_196 {strides = array<i32>} : memref<128x128xf32, #tpu.memory_space<vmem>>, vector<1x16xf32>,
      %scan3A_197 = arith.constant 0 : i32
      %scan3A_198 = arith.constant 3 : i32
      %scan3A_199 = arith.addi %scan3A_51, %scan3A_198 : i32
      %broadcast_in_dim3A_200 = arith.constant 0.000000e+00 : f32
      %broadcast_in_dim3A_201 = vector.broadcast %broadcast_in_dim3A_200 : f32 to vector<16xf32>
      %jit3A_202 = arith.constant 8 : i32
      %div3A_203 = arith.divsi %scan3A_199, %jit3A_202 : i32
      %sign3A_204 = arith.constant 0 : i32
      %sign3A_205 = arith.cmpi sgt, %scan3A_199, %sign3A_204 : i32
      %sign3A_206 = arith.extui %sign3A_205 : i1 to i32
      %sign3A_207 = arith.constant 0 : i32
      %sign3A_208 = arith.cmpi slt, %scan3A_199, %sign3A_207 : i32
      %sign3A_209 = arith.extui %sign3A_208 : i1 to i32
      %sign3A_210 = arith.subi %sign3A_206, %sign3A_209 : i32
      %sign3A_211 = arith.constant 0 : i32
      %sign3A_212 = arith.cmpi sgt, %jit3A_202, %sign3A_211 : i32
      %sign3A_213 = arith.extui %sign3A_212 : i1 to i32
      %sign3A_214 = arith.constant 0 : i32
      %sign3A_215 = arith.cmpi slt, %jit3A_202, %sign3A_214 : i32
      %sign3A_216 = arith.extui %sign3A_215 : i1 to i32
      %sign3A_217 = arith.subi %sign3A_213, %sign3A_216 : i32
      %ne3A_218 = arith.cmpi ne, %sign3A_210, %sign3A_217 : i32
      %rem3A_219 = arith.remsi %scan3A_199, %jit3A_202 : i32
      %ne3A_220 = arith.constant 0 : i32
      %ne3A_221 = arith.cmpi ne, %rem3A_219, %ne3A_220 : i32
      %and3A_222 = arith.andi %ne3A_218, %ne3A_221 : i1
      %sub3A_223 = arith.constant 1 : i32
      %sub3A_224 = arith.subi %div3A_203, %sub3A_223 : i32
      %select_n3A_225 = arith.select %and3A_222, %sub3A_224, %div3A_203 : i32
      %jit3A_226 = arith.constant 8 : i32
      %eq3A_227 = arith.constant 0 : i32
      %eq3A_228 = arith.cmpi eq, %jit3A_226, %eq3A_227 : i32
      %jit3A_229 = arith.constant 1 : i32
      %select_n3A_230 = arith.select %eq3A_228, %jit3A_229, %jit3A_226 : i32
      %rem3A_231 = arith.remsi %scan3A_199, %select_n3A_230 : i32
      %ne3A_232 = arith.constant 0 : i32
      %ne3A_233 = arith.cmpi ne, %rem3A_231, %ne3A_232 : i32
      %lt3A_234 = arith.constant 0 : i32
      %lt3A_235 = arith.cmpi slt, %rem3A_231, %lt3A_234 : i32
      %lt3A_236 = arith.constant 0 : i32
      %lt3A_237 = arith.cmpi slt, %select_n3A_230, %lt3A_236 : i32
      %ne3A_238 = arith.xori %lt3A_235, %lt3A_237 : i1
      %and3A_239 = arith.andi %ne3A_238, %ne3A_233 : i1
      %add3A_240 = arith.addi %rem3A_231, %select_n3A_230 : i32
      %select_n3A_241 = arith.select %and3A_239, %add3A_240, %rem3A_231 : i32
      %mul3A_242 = arith.constant 16 : i32
      %mul3A_243 = arith.muli %select_n3A_241, %mul3A_242 : i32
      %swap3A_244 = arith.index_cast %select_n3A_225 : i32 to index
      %swap3A_245 = arith.index_cast %mul3A_243 : i32 to index
      %swap3A_246 = tpu.vector_load %arg9[%swap3A_244, %swap3A_245] {strides = array<i32>} : memref<128x128xf32, #tpu.memory_space<vmem>>, vector<1x16xf32>,
      %swap3A_247 = vector.shape_cast %swap3A_246 : vector<1x16xf32> to vector<16xf32>
      %swap3A_248 = vector.shape_cast %broadcast_in_dim3A_201 : vector<16xf32> to vector<1x16xf32>
      tpu.vector_store %arg9[%swap3A_244, %swap3A_245], %swap3A_248 {strides = array<i32>} : memref<128x128xf32, #tpu.memory_space<vmem>>, vector<1x16xf32>,
      %scan3A_249 = arith.constant 0 : i32
      scf.yield %scan3A_249 : i32
    }
    %scan3A_14 = arith.constant 1024 : i32
    %mul3A_15 = arith.constant 640 : i32
    %mul3A_16 = arith.muli %arg1, %mul3A_15 : i32
    %add3A_17 = arith.constant 0 : i32
    %add3A_18 = arith.addi %mul3A_16, %add3A_17 : i32
    "tpu.region"() ({
      %run_scoped3A = tpu.sem_alloc : memref<!tpu.dma_semaphore, #tpu.memory_space<semaphore_mem>>
      %dma_start3A = arith.constant 0 : i32
      %dma_start3A_51 = tpu.memref_slice %arg6[%add3A_18, %dma_start3A] : memref<10240x128xf32, #tpu.memory_space<vmem_shared>> -> memref<128x128xf32, #tpu.memory_space<vmem_shared>>
      %dma_start3A_52 = arith.constant 0 : i32
      %dma_start3A_53 = tpu.memref_slice %arg6[%add3A_18, %dma_start3A_52] : memref<10240x128xf32, #tpu.memory_space<vmem_shared>> -> memref<128x128xf32, #tpu.memory_space<vmem_shared>>
      tpu.enqueue_dma source(%arg9 : memref<128x128xf32, #tpu.memory_space<vmem>>) target(%dma_start3A_53 : memref<128x128xf32, #tpu.memory_space<vmem_shared>>) target_semaphore(%run_scoped3A : memref<!tpu.dma_semaphore, #tpu.memory_space<semaphore_mem>>)
      %dma_wait3A = arith.constant 0 : i32
      %dma_wait3A_54 = tpu.memref_slice %arg6[%add3A_18, %dma_wait3A] : memref<10240x128xf32, #tpu.memory_space<vmem_shared>> -> memref<128x128xf32, #tpu.memory_space<vmem_shared>>
      %dma_wait3A_55 = arith.constant 0 : i32
      %dma_wait3A_56 = tpu.memref_slice %arg6[%add3A_18, %dma_wait3A_55] : memref<10240x128xf32, #tpu.memory_space<vmem_shared>> -> memref<128x128xf32, #tpu.memory_space<vmem_shared>>
      tpu.wait_dma2 semaphore(%run_scoped3A : memref<!tpu.dma_semaphore, #tpu.memory_space<semaphore_mem>>) src(%arg9 : memref<128x128xf32, #tpu.memory_space<vmem>>) dst(%dma_wait3A_56 : memref<128x128xf32, #tpu.memory_space<vmem_shared>>)
      tpu.yield
    }) : () -> ()
    %mul3A_19 = arith.constant 640 : i32
    %mul3A_20 = arith.muli %arg1, %mul3A_19 : i32
    %add3A_21 = arith.constant 128 : i32
    %add3A_22 = arith.addi %mul3A_20, %add3A_21 : i32
    "tpu.region"() ({
      %run_scoped3A = tpu.sem_alloc : memref<!tpu.dma_semaphore, #tpu.memory_space<semaphore_mem>>
      %dma_start3A = arith.constant 0 : i32
      %dma_start3A_51 = tpu.memref_slice %arg6[%add3A_22, %dma_start3A] : memref<10240x128xf32, #tpu.memory_space<vmem_shared>> -> memref<128x128xf32, #tpu.memory_space<vmem_shared>>
      %dma_start3A_52 = arith.constant 0 : i32
      %dma_start3A_53 = tpu.memref_slice %arg6[%add3A_22, %dma_start3A_52] : memref<10240x128xf32, #tpu.memory_space<vmem_shared>> -> memref<128x128xf32, #tpu.memory_space<vmem_shared>>
      tpu.enqueue_dma source(%arg9 : memref<128x128xf32, #tpu.memory_space<vmem>>) target(%dma_start3A_53 : memref<128x128xf32, #tpu.memory_space<vmem_shared>>) target_semaphore(%run_scoped3A : memref<!tpu.dma_semaphore, #tpu.memory_space<semaphore_mem>>)
      %dma_wait3A = arith.constant 0 : i32
      %dma_wait3A_54 = tpu.memref_slice %arg6[%add3A_22, %dma_wait3A] : memref<10240x128xf32, #tpu.memory_space<vmem_shared>> -> memref<128x128xf32, #tpu.memory_space<vmem_shared>>
      %dma_wait3A_55 = arith.constant 0 : i32
      %dma_wait3A_56 = tpu.memref_slice %arg6[%add3A_22, %dma_wait3A_55] : memref<10240x128xf32, #tpu.memory_space<vmem_shared>> -> memref<128x128xf32, #tpu.memory_space<vmem_shared>>
      tpu.wait_dma2 semaphore(%run_scoped3A : memref<!tpu.dma_semaphore, #tpu.memory_space<semaphore_mem>>) src(%arg9 : memref<128x128xf32, #tpu.memory_space<vmem>>) dst(%dma_wait3A_56 : memref<128x128xf32, #tpu.memory_space<vmem_shared>>)
      tpu.yield
    }) : () -> ()
    %mul3A_23 = arith.constant 640 : i32
    %mul3A_24 = arith.muli %arg1, %mul3A_23 : i32
    %add3A_25 = arith.constant 256 : i32
    %add3A_26 = arith.addi %mul3A_24, %add3A_25 : i32
    "tpu.region"() ({
      %run_scoped3A = tpu.sem_alloc : memref<!tpu.dma_semaphore, #tpu.memory_space<semaphore_mem>>
      %dma_start3A = arith.constant 0 : i32
      %dma_start3A_51 = tpu.memref_slice %arg6[%add3A_26, %dma_start3A] : memref<10240x128xf32, #tpu.memory_space<vmem_shared>> -> memref<128x128xf32, #tpu.memory_space<vmem_shared>>
      %dma_start3A_52 = arith.constant 0 : i32
      %dma_start3A_53 = tpu.memref_slice %arg6[%add3A_26, %dma_start3A_52] : memref<10240x128xf32, #tpu.memory_space<vmem_shared>> -> memref<128x128xf32, #tpu.memory_space<vmem_shared>>
      tpu.enqueue_dma source(%arg9 : memref<128x128xf32, #tpu.memory_space<vmem>>) target(%dma_start3A_53 : memref<128x128xf32, #tpu.memory_space<vmem_shared>>) target_semaphore(%run_scoped3A : memref<!tpu.dma_semaphore, #tpu.memory_space<semaphore_mem>>)
      %dma_wait3A = arith.constant 0 : i32
      %dma_wait3A_54 = tpu.memref_slice %arg6[%add3A_26, %dma_wait3A] : memref<10240x128xf32, #tpu.memory_space<vmem_shared>> -> memref<128x128xf32, #tpu.memory_space<vmem_shared>>
      %dma_wait3A_55 = arith.constant 0 : i32
      %dma_wait3A_56 = tpu.memref_slice %arg6[%add3A_26, %dma_wait3A_55] : memref<10240x128xf32, #tpu.memory_space<vmem_shared>> -> memref<128x128xf32, #tpu.memory_space<vmem_shared>>
      tpu.wait_dma2 semaphore(%run_scoped3A : memref<!tpu.dma_semaphore, #tpu.memory_space<semaphore_mem>>) src(%arg9 : memref<128x128xf32, #tpu.memory_space<vmem>>) dst(%dma_wait3A_56 : memref<128x128xf32, #tpu.memory_space<vmem_shared>>)
      tpu.yield
    }) : () -> ()
    %mul3A_27 = arith.constant 640 : i32
    %mul3A_28 = arith.muli %arg1, %mul3A_27 : i32
    %add3A_29 = arith.constant 384 : i32
    %add3A_30 = arith.addi %mul3A_28, %add3A_29 : i32
    "tpu.region"() ({
      %run_scoped3A = tpu.sem_alloc : memref<!tpu.dma_semaphore, #tpu.memory_space<semaphore_mem>>
      %dma_start3A = arith.constant 0 : i32
      %dma_start3A_51 = tpu.memref_slice %arg6[%add3A_30, %dma_start3A] : memref<10240x128xf32, #tpu.memory_space<vmem_shared>> -> memref<128x128xf32, #tpu.memory_space<vmem_shared>>
      %dma_start3A_52 = arith.constant 0 : i32
      %dma_start3A_53 = tpu.memref_slice %arg6[%add3A_30, %dma_start3A_52] : memref<10240x128xf32, #tpu.memory_space<vmem_shared>> -> memref<128x128xf32, #tpu.memory_space<vmem_shared>>
      tpu.enqueue_dma source(%arg9 : memref<128x128xf32, #tpu.memory_space<vmem>>) target(%dma_start3A_53 : memref<128x128xf32, #tpu.memory_space<vmem_shared>>) target_semaphore(%run_scoped3A : memref<!tpu.dma_semaphore, #tpu.memory_space<semaphore_mem>>)
      %dma_wait3A = arith.constant 0 : i32
      %dma_wait3A_54 = tpu.memref_slice %arg6[%add3A_30, %dma_wait3A] : memref<10240x128xf32, #tpu.memory_space<vmem_shared>> -> memref<128x128xf32, #tpu.memory_space<vmem_shared>>
      %dma_wait3A_55 = arith.constant 0 : i32
      %dma_wait3A_56 = tpu.memref_slice %arg6[%add3A_30, %dma_wait3A_55] : memref<10240x128xf32, #tpu.memory_space<vmem_shared>> -> memref<128x128xf32, #tpu.memory_space<vmem_shared>>
      tpu.wait_dma2 semaphore(%run_scoped3A : memref<!tpu.dma_semaphore, #tpu.memory_space<semaphore_mem>>) src(%arg9 : memref<128x128xf32, #tpu.memory_space<vmem>>) dst(%dma_wait3A_56 : memref<128x128xf32, #tpu.memory_space<vmem_shared>>)
      tpu.yield
    }) : () -> ()
    %mul3A_31 = arith.constant 640 : i32
    %mul3A_32 = arith.muli %arg1, %mul3A_31 : i32
    %add3A_33 = arith.constant 512 : i32
    %add3A_34 = arith.addi %mul3A_32, %add3A_33 : i32
    "tpu.region"() ({
      %run_scoped3A = tpu.sem_alloc : memref<!tpu.dma_semaphore, #tpu.memory_space<semaphore_mem>>
      %dma_start3A = arith.constant 0 : i32
      %dma_start3A_51 = tpu.memref_slice %arg6[%add3A_34, %dma_start3A] : memref<10240x128xf32, #tpu.memory_space<vmem_shared>> -> memref<128x128xf32, #tpu.memory_space<vmem_shared>>
      %dma_start3A_52 = arith.constant 0 : i32
      %dma_start3A_53 = tpu.memref_slice %arg6[%add3A_34, %dma_start3A_52] : memref<10240x128xf32, #tpu.memory_space<vmem_shared>> -> memref<128x128xf32, #tpu.memory_space<vmem_shared>>
      tpu.enqueue_dma source(%arg9 : memref<128x128xf32, #tpu.memory_space<vmem>>) target(%dma_start3A_53 : memref<128x128xf32, #tpu.memory_space<vmem_shared>>) target_semaphore(%run_scoped3A : memref<!tpu.dma_semaphore, #tpu.memory_space<semaphore_mem>>)
      %dma_wait3A = arith.constant 0 : i32
      %dma_wait3A_54 = tpu.memref_slice %arg6[%add3A_34, %dma_wait3A] : memref<10240x128xf32, #tpu.memory_space<vmem_shared>> -> memref<128x128xf32, #tpu.memory_space<vmem_shared>>
      %dma_wait3A_55 = arith.constant 0 : i32
      %dma_wait3A_56 = tpu.memref_slice %arg6[%add3A_34, %dma_wait3A_55] : memref<10240x128xf32, #tpu.memory_space<vmem_shared>> -> memref<128x128xf32, #tpu.memory_space<vmem_shared>>
      tpu.wait_dma2 semaphore(%run_scoped3A : memref<!tpu.dma_semaphore, #tpu.memory_space<semaphore_mem>>) src(%arg9 : memref<128x128xf32, #tpu.memory_space<vmem>>) dst(%dma_wait3A_56 : memref<128x128xf32, #tpu.memory_space<vmem_shared>>)
      tpu.yield
    }) : () -> ()
    "tpu.region"() ({
      %run_scoped3A = tpu.sem_alloc : memref<!tpu.dma_semaphore, #tpu.memory_space<semaphore_mem>>
      %dma_start3A = arith.constant 0 : i32
      %dma_start3A_51 = tpu.memref_slice %arg3[%select_n3A, %dma_start3A] : memref<2560x128xi32, #tpu.memory_space<hbm>> -> memref<80x128xi32, #tpu.memory_space<hbm>>
      %dma_start3A_52 = arith.constant 0 : i32
      %dma_start3A_53 = tpu.memref_slice %arg3[%select_n3A, %dma_start3A_52] : memref<2560x128xi32, #tpu.memory_space<hbm>> -> memref<80x128xi32, #tpu.memory_space<hbm>>
      tpu.enqueue_dma source(%dma_start3A_53 : memref<80x128xi32, #tpu.memory_space<hbm>>) target(%arg7 : memref<80x128xi32, #tpu.memory_space<vmem>>) target_semaphore(%run_scoped3A : memref<!tpu.dma_semaphore, #tpu.memory_space<semaphore_mem>>)
      %dma_wait3A = arith.constant 0 : i32
      %dma_wait3A_54 = tpu.memref_slice %arg3[%select_n3A, %dma_wait3A] : memref<2560x128xi32, #tpu.memory_space<hbm>> -> memref<80x128xi32, #tpu.memory_space<hbm>>
      %dma_wait3A_55 = arith.constant 0 : i32
      %dma_wait3A_56 = tpu.memref_slice %arg3[%select_n3A, %dma_wait3A_55] : memref<2560x128xi32, #tpu.memory_space<hbm>> -> memref<80x128xi32, #tpu.memory_space<hbm>>
      tpu.wait_dma2 semaphore(%run_scoped3A : memref<!tpu.dma_semaphore, #tpu.memory_space<semaphore_mem>>) src(%dma_wait3A_56 : memref<80x128xi32, #tpu.memory_space<hbm>>) dst(%arg7 : memref<80x128xi32, #tpu.memory_space<vmem>>)
      tpu.yield
    }) : () -> ()
    "tpu.region"() ({
      %run_scoped3A = tpu.sem_alloc : memref<!tpu.dma_semaphore, #tpu.memory_space<semaphore_mem>>
      %dma_start3A = arith.constant 0 : i32
      %dma_start3A_51 = tpu.memref_slice %arg4[%select_n3A, %dma_start3A] : memref<2560x128xi32, #tpu.memory_space<hbm>> -> memref<80x128xi32, #tpu.memory_space<hbm>>
      %dma_start3A_52 = arith.constant 0 : i32
      %dma_start3A_53 = tpu.memref_slice %arg4[%select_n3A, %dma_start3A_52] : memref<2560x128xi32, #tpu.memory_space<hbm>> -> memref<80x128xi32, #tpu.memory_space<hbm>>
      tpu.enqueue_dma source(%dma_start3A_53 : memref<80x128xi32, #tpu.memory_space<hbm>>) target(%arg8 : memref<80x128xi32, #tpu.memory_space<vmem>>) target_semaphore(%run_scoped3A : memref<!tpu.dma_semaphore, #tpu.memory_space<semaphore_mem>>)
      %dma_wait3A = arith.constant 0 : i32
      %dma_wait3A_54 = tpu.memref_slice %arg4[%select_n3A, %dma_wait3A] : memref<2560x128xi32, #tpu.memory_space<hbm>> -> memref<80x128xi32, #tpu.memory_space<hbm>>
      %dma_wait3A_55 = arith.constant 0 : i32
      %dma_wait3A_56 = tpu.memref_slice %arg4[%select_n3A, %dma_wait3A_55] : memref<2560x128xi32, #tpu.memory_space<hbm>> -> memref<80x128xi32, #tpu.memory_space<hbm>>
      tpu.wait_dma2 semaphore(%run_scoped3A : memref<!tpu.dma_semaphore, #tpu.memory_space<semaphore_mem>>) src(%dma_wait3A_56 : memref<80x128xi32, #tpu.memory_space<hbm>>) dst(%arg8 : memref<80x128xi32, #tpu.memory_space<vmem>>)
      tpu.yield
    }) : () -> ()
    %barrier3A = arith.constant 0 : index
    tpu.barrier barrier_id(%barrier3A)
    %while3A = arith.constant 0 : i32
    %while3A_35 = arith.constant 0 : i32
    %while3A_36 = arith.subi %select_n3A_8, %while3A : i32
    %while3A_37 = arith.addi %while3A, %while3A_36 : i32
    %while3A_38 = arith.constant 1 : i32
    %while3A_39 = arith.divsi %while3A_36, %while3A_38 : i32
    %while3A_40 = arith.muli %while3A_39, %while3A_38 : i32
    %while3A_41 = arith.addi %while3A, %while3A_40 : i32
    %while3A_42 = arith.constant 1 : i32
    %while3A_43 = scf.for %while3A_51 = %while3A to %while3A_41 step %while3A_42 iter_args(%while3A_52 = %while3A_35) -> (i32)  : i32 {
      %dma_start3A = arith.constant 0 : i32
      %dma_start3A_53 = tpu.memref_slice %arg7[%while3A_51, %dma_start3A] : memref<80x128xi32, #tpu.memory_space<vmem>> -> memref<1x128xi32, #tpu.memory_space<vmem>>
      %dma_start3A_54 = tpu.memref_squeeze %dma_start3A_53 : memref<1x128xi32, #tpu.memory_space<vmem>> -> memref<128xi32, #tpu.memory_space<vmem>>
      %dma_start3A_55 = arith.constant 0 : i32
      %dma_start3A_56 = arith.constant 0 : i32
      %dma_start3A_57 = tpu.memref_slice %arg2[%dma_start3A_55, %dma_start3A_56] : memref<10112x128xf32, #tpu.memory_space<hbm>> -> memref<10112x128xf32, #tpu.memory_space<hbm>>
      tpu.enqueue_indirect_dma source(%dma_start3A_57 : memref<10112x128xf32, #tpu.memory_space<hbm>>) target(%arg9 : memref<128x128xf32, #tpu.memory_space<vmem>>) offsets(%dma_start3A_54 : memref<128xi32, #tpu.memory_space<vmem>>) semaphore(%arg10 : memref<!tpu.dma_semaphore, #tpu.memory_space<semaphore_mem>>)
      %dma_wait3A = arith.constant 0 : i32
      %dma_wait3A_58 = tpu.memref_slice %arg7[%while3A_51, %dma_wait3A] : memref<80x128xi32, #tpu.memory_space<vmem>> -> memref<1x128xi32, #tpu.memory_space<vmem>>
      %dma_wait3A_59 = tpu.memref_squeeze %dma_wait3A_58 : memref<1x128xi32, #tpu.memory_space<vmem>> -> memref<128xi32, #tpu.memory_space<vmem>>
      %dma_wait3A_60 = arith.constant 0 : i32
      %dma_wait3A_61 = arith.constant 0 : i32
      %dma_wait3A_62 = tpu.memref_slice %arg2[%dma_wait3A_60, %dma_wait3A_61] : memref<10112x128xf32, #tpu.memory_space<hbm>> -> memref<10112x128xf32, #tpu.memory_space<hbm>>
      tpu.wait_indirect_dma semaphore(%arg10 : memref<!tpu.dma_semaphore, #tpu.memory_space<semaphore_mem>>) src(%dma_wait3A_62 : memref<10112x128xf32, #tpu.memory_space<hbm>>) dst(%arg9 : memref<128x128xf32, #tpu.memory_space<vmem>>)
      "tpu.region"() ({
        %run_scoped3A = tpu.sem_alloc : memref<!tpu.dma_semaphore, #tpu.memory_space<semaphore_mem>>
        %dma_start3A_64 = arith.constant 0 : i32
        %dma_start3A_65 = tpu.memref_slice %arg8[%while3A_51, %dma_start3A_64] : memref<80x128xi32, #tpu.memory_space<vmem>> -> memref<1x128xi32, #tpu.memory_space<vmem>>
        %dma_start3A_66 = tpu.memref_squeeze %dma_start3A_65 : memref<1x128xi32, #tpu.memory_space<vmem>> -> memref<128xi32, #tpu.memory_space<vmem>>
        %dma_start3A_67 = arith.constant 0 : i32
        %dma_start3A_68 = arith.constant 0 : i32
        %dma_start3A_69 = tpu.memref_slice %arg6[%dma_start3A_67, %dma_start3A_68] : memref<10240x128xf32, #tpu.memory_space<vmem_shared>> -> memref<10240x128xf32, #tpu.memory_space<vmem_shared>>
        tpu.enqueue_indirect_dma source(%arg9 : memref<128x128xf32, #tpu.memory_space<vmem>>) target(%dma_start3A_69 : memref<10240x128xf32, #tpu.memory_space<vmem_shared>>) offsets(%dma_start3A_66 : memref<128xi32, #tpu.memory_space<vmem>>) semaphore(%run_scoped3A : memref<!tpu.dma_semaphore, #tpu.memory_space<semaphore_mem>>) {add = true}
        %dma_wait3A_70 = arith.constant 0 : i32
        %dma_wait3A_71 = tpu.memref_slice %arg8[%while3A_51, %dma_wait3A_70] : memref<80x128xi32, #tpu.memory_space<vmem>> -> memref<1x128xi32, #tpu.memory_space<vmem>>
        %dma_wait3A_72 = tpu.memref_squeeze %dma_wait3A_71 : memref<1x128xi32, #tpu.memory_space<vmem>> -> memref<128xi32, #tpu.memory_space<vmem>>
        %dma_wait3A_73 = arith.constant 0 : i32
        %dma_wait3A_74 = arith.constant 0 : i32
        %dma_wait3A_75 = tpu.memref_slice %arg6[%dma_wait3A_73, %dma_wait3A_74] : memref<10240x128xf32, #tpu.memory_space<vmem_shared>> -> memref<10240x128xf32, #tpu.memory_space<vmem_shared>>
        tpu.wait_indirect_dma semaphore(%run_scoped3A : memref<!tpu.dma_semaphore, #tpu.memory_space<semaphore_mem>>) src(%arg9 : memref<128x128xf32, #tpu.memory_space<vmem>>) dst(%dma_wait3A_75 : memref<10240x128xf32, #tpu.memory_space<vmem_shared>>)
        tpu.yield
      }) : () -> ()
      %while3A_63 = arith.constant 0 : i32
      scf.yield %while3A_63 : i32
    }
    %while3A_44 = arith.constant 1 : i32
    %while3A_45 = scf.for %while3A_51 = %while3A_41 to %while3A_37 step %while3A_44 iter_args(%while3A_52 = %while3A_43) -> (i32)  : i32 {
      %dma_start3A = arith.constant 0 : i32
      %dma_start3A_53 = tpu.memref_slice %arg7[%while3A_51, %dma_start3A] : memref<80x128xi32, #tpu.memory_space<vmem>> -> memref<1x128xi32, #tpu.memory_space<vmem>>
      %dma_start3A_54 = tpu.memref_squeeze %dma_start3A_53 : memref<1x128xi32, #tpu.memory_space<vmem>> -> memref<128xi32, #tpu.memory_space<vmem>>
      %dma_start3A_55 = arith.constant 0 : i32
      %dma_start3A_56 = arith.constant 0 : i32
      %dma_start3A_57 = tpu.memref_slice %arg2[%dma_start3A_55, %dma_start3A_56] : memref<10112x128xf32, #tpu.memory_space<hbm>> -> memref<10112x128xf32, #tpu.memory_space<hbm>>
      tpu.enqueue_indirect_dma source(%dma_start3A_57 : memref<10112x128xf32, #tpu.memory_space<hbm>>) target(%arg9 : memref<128x128xf32, #tpu.memory_space<vmem>>) offsets(%dma_start3A_54 : memref<128xi32, #tpu.memory_space<vmem>>) semaphore(%arg10 : memref<!tpu.dma_semaphore, #tpu.memory_space<semaphore_mem>>)
      %dma_wait3A = arith.constant 0 : i32
      %dma_wait3A_58 = tpu.memref_slice %arg7[%while3A_51, %dma_wait3A] : memref<80x128xi32, #tpu.memory_space<vmem>> -> memref<1x128xi32, #tpu.memory_space<vmem>>
      %dma_wait3A_59 = tpu.memref_squeeze %dma_wait3A_58 : memref<1x128xi32, #tpu.memory_space<vmem>> -> memref<128xi32, #tpu.memory_space<vmem>>
      %dma_wait3A_60 = arith.constant 0 : i32
      %dma_wait3A_61 = arith.constant 0 : i32
      %dma_wait3A_62 = tpu.memref_slice %arg2[%dma_wait3A_60, %dma_wait3A_61] : memref<10112x128xf32, #tpu.memory_space<hbm>> -> memref<10112x128xf32, #tpu.memory_space<hbm>>
      tpu.wait_indirect_dma semaphore(%arg10 : memref<!tpu.dma_semaphore, #tpu.memory_space<semaphore_mem>>) src(%dma_wait3A_62 : memref<10112x128xf32, #tpu.memory_space<hbm>>) dst(%arg9 : memref<128x128xf32, #tpu.memory_space<vmem>>)
      "tpu.region"() ({
        %run_scoped3A = tpu.sem_alloc : memref<!tpu.dma_semaphore, #tpu.memory_space<semaphore_mem>>
        %dma_start3A_64 = arith.constant 0 : i32
        %dma_start3A_65 = tpu.memref_slice %arg8[%while3A_51, %dma_start3A_64] : memref<80x128xi32, #tpu.memory_space<vmem>> -> memref<1x128xi32, #tpu.memory_space<vmem>>
        %dma_start3A_66 = tpu.memref_squeeze %dma_start3A_65 : memref<1x128xi32, #tpu.memory_space<vmem>> -> memref<128xi32, #tpu.memory_space<vmem>>
        %dma_start3A_67 = arith.constant 0 : i32
        %dma_start3A_68 = arith.constant 0 : i32
        %dma_start3A_69 = tpu.memref_slice %arg6[%dma_start3A_67, %dma_start3A_68] : memref<10240x128xf32, #tpu.memory_space<vmem_shared>> -> memref<10240x128xf32, #tpu.memory_space<vmem_shared>>
        tpu.enqueue_indirect_dma source(%arg9 : memref<128x128xf32, #tpu.memory_space<vmem>>) target(%dma_start3A_69 : memref<10240x128xf32, #tpu.memory_space<vmem_shared>>) offsets(%dma_start3A_66 : memref<128xi32, #tpu.memory_space<vmem>>) semaphore(%run_scoped3A : memref<!tpu.dma_semaphore, #tpu.memory_space<semaphore_mem>>) {add = true}
        %dma_wait3A_70 = arith.constant 0 : i32
        %dma_wait3A_71 = tpu.memref_slice %arg8[%while3A_51, %dma_wait3A_70] : memref<80x128xi32, #tpu.memory_space<vmem>> -> memref<1x128xi32, #tpu.memory_space<vmem>>
        %dma_wait3A_72 = tpu.memref_squeeze %dma_wait3A_71 : memref<1x128xi32, #tpu.memory_space<vmem>> -> memref<128xi32, #tpu.memory_space<vmem>>
        %dma_wait3A_73 = arith.constant 0 : i32
        %dma_wait3A_74 = arith.constant 0 : i32
        %dma_wait3A_75 = tpu.memref_slice %arg6[%dma_wait3A_73, %dma_wait3A_74] : memref<10240x128xf32, #tpu.memory_space<vmem_shared>> -> memref<10240x128xf32, #tpu.memory_space<vmem_shared>>
        tpu.wait_indirect_dma semaphore(%run_scoped3A : memref<!tpu.dma_semaphore, #tpu.memory_space<semaphore_mem>>) src(%arg9 : memref<128x128xf32, #tpu.memory_space<vmem>>) dst(%dma_wait3A_75 : memref<10240x128xf32, #tpu.memory_space<vmem_shared>>)
        tpu.yield
      }) : () -> ()
      %while3A_63 = arith.constant 0 : i32
      scf.yield %while3A_63 : i32
    }
    %barrier3A_46 = arith.constant 0 : index
    tpu.barrier barrier_id(%barrier3A_46)
    %mul3A_47 = arith.constant 632 : i32
    %mul3A_48 = arith.muli %arg1, %mul3A_47 : i32
    %mul3A_49 = arith.constant 632 : i32
    %mul3A_50 = arith.muli %arg1, %mul3A_49 : i32
    "tpu.region"() ({
      %run_scoped3A = tpu.sem_alloc : memref<!tpu.dma_semaphore, #tpu.memory_space<semaphore_mem>>
      %dma_start3A = arith.constant 0 : i32
      %dma_start3A_51 = tpu.memref_slice %arg5[%arg0, %mul3A_50, %dma_start3A] : memref<2x10112x128xf32, #tpu.memory_space<hbm>> -> memref<1x632x128xf32, #tpu.memory_space<hbm>>
      %dma_start3A_52 = tpu.memref_squeeze %dma_start3A_51 : memref<1x632x128xf32, #tpu.memory_space<hbm>> -> memref<632x128xf32, #tpu.memory_space<hbm>>
      %dma_start3A_53 = arith.constant 0 : i32
      %dma_start3A_54 = tpu.memref_slice %arg6[%mul3A_48, %dma_start3A_53] : memref<10240x128xf32, #tpu.memory_space<vmem_shared>> -> memref<632x128xf32, #tpu.memory_space<vmem_shared>>
      tpu.enqueue_dma source(%dma_start3A_54 : memref<632x128xf32, #tpu.memory_space<vmem_shared>>) target(%dma_start3A_52 : memref<632x128xf32, #tpu.memory_space<hbm>>) target_semaphore(%run_scoped3A : memref<!tpu.dma_semaphore, #tpu.memory_space<semaphore_mem>>)
      %dma_wait3A = arith.constant 0 : i32
      %dma_wait3A_55 = tpu.memref_slice %arg5[%arg0, %mul3A_50, %dma_wait3A] : memref<2x10112x128xf32, #tpu.memory_space<hbm>> -> memref<1x632x128xf32, #tpu.memory_space<hbm>>
      %dma_wait3A_56 = tpu.memref_squeeze %dma_wait3A_55 : memref<1x632x128xf32, #tpu.memory_space<hbm>> -> memref<632x128xf32, #tpu.memory_space<hbm>>
      %dma_wait3A_57 = arith.constant 0 : i32
      %dma_wait3A_58 = tpu.memref_slice %arg6[%mul3A_48, %dma_wait3A_57] : memref<10240x128xf32, #tpu.memory_space<vmem_shared>> -> memref<632x128xf32, #tpu.memory_space<vmem_shared>>
      tpu.wait_dma2 semaphore(%run_scoped3A : memref<!tpu.dma_semaphore, #tpu.memory_space<semaphore_mem>>) src(%dma_wait3A_58 : memref<632x128xf32, #tpu.memory_space<vmem_shared>>) dst(%dma_wait3A_56 : memref<632x128xf32, #tpu.memory_space<hbm>>)
      tpu.yield
    }) : () -> ()
    return
  }
}

#map = affine_map<(d0, d1) -> (0, 0)>
#map1 = affine_map<(d0, d1) -> (0, 0, 0)>
module attributes {stable_mosaic.version = 14 : i64} {
  func.func @conv_kernel(%arg0: i32, %arg1: i32, %arg2: memref<10112x128xf32, #tpu.memory_space<hbm>>, %arg3: memref<2560x128xi32, #tpu.memory_space<hbm>>, %arg4: memref<2560x128xi32, #tpu.memory_space<hbm>>, %arg5: memref<2x10112x128xf32, #tpu.memory_space<hbm>>, %arg6: memref<10240x128xf32, #tpu.memory_space<vmem_shared>>, %arg7: memref<80x128xi32, #tpu.memory_space<vmem>>, %arg8: memref<80x128xi32, #tpu.memory_space<vmem>>, %arg9: memref<128x128xf32, #tpu.memory_space<vmem>>, %arg10: memref<!tpu.dma_semaphore, #tpu.memory_space<semaphore_mem>>) attributes {dimension_semantics = [#tpu.dimension_semantics<core_parallel>, #tpu.dimension_semantics<subcore_parallel>], iteration_bounds = array<i64: 2, 16>, scalar_prefetch = 0 : i64, scratch_operands = 5 : i64, tpu.core_type = #tpu.core_type<sc_vector_subcore>, window_params = [{transform_indices = #map}, {transform_indices = #map}, {transform_indices = #map}, {transform_indices = #map1}]} {
    %eq3A = arith.constant 0 : i32
    %eq3A_0 = arith.cmpi eq, %arg0, %eq3A : i32
    %mul3A = arith.constant 80 : i32
    %mul3A_1 = arith.muli %arg1, %mul3A : i32
    %mul3A_2 = arith.constant 80 : i32
    %mul3A_3 = arith.muli %arg1, %mul3A_2 : i32
    %add3A = arith.constant 1280 : i32
    %add3A_4 = arith.addi %add3A, %mul3A_3 : i32
    %select_n3A = arith.select %eq3A_0, %mul3A_1, %add3A_4 : i32
    %eq3A_5 = arith.constant 0 : i32
    %eq3A_6 = arith.cmpi eq, %arg0, %eq3A_5 : i32
    %jit3A = arith.constant 80 : i32
    %jit3A_7 = arith.constant 80 : i32
    %select_n3A_8 = arith.select %eq3A_6, %jit3A, %jit3A_7 : i32
    %scan3A = arith.constant 0 : i32
    %scan3A_9 = arith.constant 0 : i32
    %scan3A_10 = arith.constant 1024 : i32
    %scan3A_11 = arith.addi %scan3A_9, %scan3A_10 : i32
    %scan3A_12 = arith.constant 4 : i32
    %scan3A_13 = scf.for %scan3A_51 = %scan3A_9 to %scan3A_11 step %scan3A_12 iter_args(%scan3A_52 = %scan3A) -> (i32)  : i32 {
      %broadcast_in_dim3A = arith.constant 0.000000e+00 : f32
      %broadcast_in_dim3A_53 = vector.broadcast %broadcast_in_dim3A : f32 to vector<16xf32>
      %jit3A_54 = arith.constant 8 : i32
      %div3A = arith.divsi %scan3A_51, %jit3A_54 : i32
      %sign3A = arith.constant 0 : i32
      %sign3A_55 = arith.cmpi sgt, %scan3A_51, %sign3A : i32
      %sign3A_56 = arith.extui %sign3A_55 : i1 to i32
      %sign3A_57 = arith.constant 0 : i32
      %sign3A_58 = arith.cmpi slt, %scan3A_51, %sign3A_57 : i32
      %sign3A_59 = arith.extui %sign3A_58 : i1 to i32
      %sign3A_60 = arith.subi %sign3A_56, %sign3A_59 : i32
      %sign3A_61 = arith.constant 0 : i32
      %sign3A_62 = arith.cmpi sgt, %jit3A_54, %sign3A_61 : i32
      %sign3A_63 = arith.extui %sign3A_62 : i1 to i32
      %sign3A_64 = arith.constant 0 : i32
      %sign3A_65 = arith.cmpi slt, %jit3A_54, %sign3A_64 : i32
      %sign3A_66 = arith.extui %sign3A_65 : i1 to i32
      %sign3A_67 = arith.subi %sign3A_63, %sign3A_66 : i32
      %ne3A = arith.cmpi ne, %sign3A_60, %sign3A_67 : i32
      %rem3A = arith.remsi %scan3A_51, %jit3A_54 : i32
      %ne3A_68 = arith.constant 0 : i32
      %ne3A_69 = arith.cmpi ne, %rem3A, %ne3A_68 : i32
      %and3A = arith.andi %ne3A, %ne3A_69 : i1
      %sub3A = arith.constant 1 : i32
      %sub3A_70 = arith.subi %div3A, %sub3A : i32
      %select_n3A_71 = arith.select %and3A, %sub3A_70, %div3A : i32
      %jit3A_72 = arith.constant 8 : i32
      %eq3A_73 = arith.constant 0 : i32
      %eq3A_74 = arith.cmpi eq, %jit3A_72, %eq3A_73 : i32
      %jit3A_75 = arith.constant 1 : i32
      %select_n3A_76 = arith.select %eq3A_74, %jit3A_75, %jit3A_72 : i32
      %rem3A_77 = arith.remsi %scan3A_51, %select_n3A_76 : i32
      %ne3A_78 = arith.constant 0 : i32
      %ne3A_79 = arith.cmpi ne, %rem3A_77, %ne3A_78 : i32
      %lt3A = arith.constant 0 : i32
      %lt3A_80 = arith.cmpi slt, %rem3A_77, %lt3A : i32
      %lt3A_81 = arith.constant 0 : i32
      %lt3A_82 = arith.cmpi slt, %select_n3A_76, %lt3A_81 : i32
      %ne3A_83 = arith.xori %lt3A_80, %lt3A_82 : i1
      %and3A_84 = arith.andi %ne3A_83, %ne3A_79 : i1
      %add3A_85 = arith.addi %rem3A_77, %select_n3A_76 : i32
      %select_n3A_86 = arith.select %and3A_84, %add3A_85, %rem3A_77 : i32
      %mul3A_87 = arith.constant 16 : i32
      %mul3A_88 = arith.muli %select_n3A_86, %mul3A_87 : i32
      %swap3A = arith.index_cast %select_n3A_71 : i32 to index
      %swap3A_89 = arith.index_cast %mul3A_88 : i32 to index
      %swap3A_90 = tpu.vector_load %arg9[%swap3A, %swap3A_89] {strides = array<i32>} : memref<128x128xf32, #tpu.memory_space<vmem>>, vector<1x16xf32>,
      %swap3A_91 = vector.shape_cast %swap3A_90 : vector<1x16xf32> to vector<16xf32>
      %swap3A_92 = vector.shape_cast %broadcast_in_dim3A_53 : vector<16xf32> to vector<1x16xf32>
      tpu.vector_store %arg9[%swap3A, %swap3A_89], %swap3A_92 {strides = array<i32>} : memref<128x128xf32, #tpu.memory_space<vmem>>, vector<1x16xf32>,
      %scan3A_93 = arith.constant 0 : i32
      %scan3A_94 = arith.constant 1 : i32
      %scan3A_95 = arith.addi %scan3A_51, %scan3A_94 : i32
      %broadcast_in_dim3A_96 = arith.constant 0.000000e+00 : f32
      %broadcast_in_dim3A_97 = vector.broadcast %broadcast_in_dim3A_96 : f32 to vector<16xf32>
      %jit3A_98 = arith.constant 8 : i32
      %div3A_99 = arith.divsi %scan3A_95, %jit3A_98 : i32
      %sign3A_100 = arith.constant 0 : i32
      %sign3A_101 = arith.cmpi sgt, %scan3A_95, %sign3A_100 : i32
      %sign3A_102 = arith.extui %sign3A_101 : i1 to i32
      %sign3A_103 = arith.constant 0 : i32
      %sign3A_104 = arith.cmpi slt, %scan3A_95, %sign3A_103 : i32
      %sign3A_105 = arith.extui %sign3A_104 : i1 to i32
      %sign3A_106 = arith.subi %sign3A_102, %sign3A_105 : i32
      %sign3A_107 = arith.constant 0 : i32
      %sign3A_108 = arith.cmpi sgt, %jit3A_98, %sign3A_107 : i32
      %sign3A_109 = arith.extui %sign3A_108 : i1 to i32
      %sign3A_110 = arith.constant 0 : i32
      %sign3A_111 = arith.cmpi slt, %jit3A_98, %sign3A_110 : i32
      %sign3A_112 = arith.extui %sign3A_111 : i1 to i32
      %sign3A_113 = arith.subi %sign3A_109, %sign3A_112 : i32
      %ne3A_114 = arith.cmpi ne, %sign3A_106, %sign3A_113 : i32
      %rem3A_115 = arith.remsi %scan3A_95, %jit3A_98 : i32
      %ne3A_116 = arith.constant 0 : i32
      %ne3A_117 = arith.cmpi ne, %rem3A_115, %ne3A_116 : i32
      %and3A_118 = arith.andi %ne3A_114, %ne3A_117 : i1
      %sub3A_119 = arith.constant 1 : i32
      %sub3A_120 = arith.subi %div3A_99, %sub3A_119 : i32
      %select_n3A_121 = arith.select %and3A_118, %sub3A_120, %div3A_99 : i32
      %jit3A_122 = arith.constant 8 : i32
      %eq3A_123 = arith.constant 0 : i32
      %eq3A_124 = arith.cmpi eq, %jit3A_122, %eq3A_123 : i32
      %jit3A_125 = arith.constant 1 : i32
      %select_n3A_126 = arith.select %eq3A_124, %jit3A_125, %jit3A_122 : i32
      %rem3A_127 = arith.remsi %scan3A_95, %select_n3A_126 : i32
      %ne3A_128 = arith.constant 0 : i32
      %ne3A_129 = arith.cmpi ne, %rem3A_127, %ne3A_128 : i32
      %lt3A_130 = arith.constant 0 : i32
      %lt3A_131 = arith.cmpi slt, %rem3A_127, %lt3A_130 : i32
      %lt3A_132 = arith.constant 0 : i32
      %lt3A_133 = arith.cmpi slt, %select_n3A_126, %lt3A_132 : i32
      %ne3A_134 = arith.xori %lt3A_131, %lt3A_133 : i1
      %and3A_135 = arith.andi %ne3A_134, %ne3A_129 : i1
      %add3A_136 = arith.addi %rem3A_127, %select_n3A_126 : i32
      %select_n3A_137 = arith.select %and3A_135, %add3A_136, %rem3A_127 : i32
      %mul3A_138 = arith.constant 16 : i32
      %mul3A_139 = arith.muli %select_n3A_137, %mul3A_138 : i32
      %swap3A_140 = arith.index_cast %select_n3A_121 : i32 to index
      %swap3A_141 = arith.index_cast %mul3A_139 : i32 to index
      %swap3A_142 = tpu.vector_load %arg9[%swap3A_140, %swap3A_141] {strides = array<i32>} : memref<128x128xf32, #tpu.memory_space<vmem>>, vector<1x16xf32>,
      %swap3A_143 = vector.shape_cast %swap3A_142 : vector<1x16xf32> to vector<16xf32>
      %swap3A_144 = vector.shape_cast %broadcast_in_dim3A_97 : vector<16xf32> to vector<1x16xf32>
      tpu.vector_store %arg9[%swap3A_140, %swap3A_141], %swap3A_144 {strides = array<i32>} : memref<128x128xf32, #tpu.memory_space<vmem>>, vector<1x16xf32>,
      %scan3A_145 = arith.constant 0 : i32
      %scan3A_146 = arith.constant 2 : i32
      %scan3A_147 = arith.addi %scan3A_51, %scan3A_146 : i32
      %broadcast_in_dim3A_148 = arith.constant 0.000000e+00 : f32
      %broadcast_in_dim3A_149 = vector.broadcast %broadcast_in_dim3A_148 : f32 to vector<16xf32>
      %jit3A_150 = arith.constant 8 : i32
      %div3A_151 = arith.divsi %scan3A_147, %jit3A_150 : i32
      %sign3A_152 = arith.constant 0 : i32
      %sign3A_153 = arith.cmpi sgt, %scan3A_147, %sign3A_152 : i32
      %sign3A_154 = arith.extui %sign3A_153 : i1 to i32
      %sign3A_155 = arith.constant 0 : i32
      %sign3A_156 = arith.cmpi slt, %scan3A_147, %sign3A_155 : i32
      %sign3A_157 = arith.extui %sign3A_156 : i1 to i32
      %sign3A_158 = arith.subi %sign3A_154, %sign3A_157 : i32
      %sign3A_159 = arith.constant 0 : i32
      %sign3A_160 = arith.cmpi sgt, %jit3A_150, %sign3A_159 : i32
      %sign3A_161 = arith.extui %sign3A_160 : i1 to i32
      %sign3A_162 = arith.constant 0 : i32
      %sign3A_163 = arith.cmpi slt, %jit3A_150, %sign3A_162 : i32
      %sign3A_164 = arith.extui %sign3A_163 : i1 to i32
      %sign3A_165 = arith.subi %sign3A_161, %sign3A_164 : i32
      %ne3A_166 = arith.cmpi ne, %sign3A_158, %sign3A_165 : i32
      %rem3A_167 = arith.remsi %scan3A_147, %jit3A_150 : i32
      %ne3A_168 = arith.constant 0 : i32
      %ne3A_169 = arith.cmpi ne, %rem3A_167, %ne3A_168 : i32
      %and3A_170 = arith.andi %ne3A_166, %ne3A_169 : i1
      %sub3A_171 = arith.constant 1 : i32
      %sub3A_172 = arith.subi %div3A_151, %sub3A_171 : i32
      %select_n3A_173 = arith.select %and3A_170, %sub3A_172, %div3A_151 : i32
      %jit3A_174 = arith.constant 8 : i32
      %eq3A_175 = arith.constant 0 : i32
      %eq3A_176 = arith.cmpi eq, %jit3A_174, %eq3A_175 : i32
      %jit3A_177 = arith.constant 1 : i32
      %select_n3A_178 = arith.select %eq3A_176, %jit3A_177, %jit3A_174 : i32
      %rem3A_179 = arith.remsi %scan3A_147, %select_n3A_178 : i32
      %ne3A_180 = arith.constant 0 : i32
      %ne3A_181 = arith.cmpi ne, %rem3A_179, %ne3A_180 : i32
      %lt3A_182 = arith.constant 0 : i32
      %lt3A_183 = arith.cmpi slt, %rem3A_179, %lt3A_182 : i32
      %lt3A_184 = arith.constant 0 : i32
      %lt3A_185 = arith.cmpi slt, %select_n3A_178, %lt3A_184 : i32
      %ne3A_186 = arith.xori %lt3A_183, %lt3A_185 : i1
      %and3A_187 = arith.andi %ne3A_186, %ne3A_181 : i1
      %add3A_188 = arith.addi %rem3A_179, %select_n3A_178 : i32
      %select_n3A_189 = arith.select %and3A_187, %add3A_188, %rem3A_179 : i32
      %mul3A_190 = arith.constant 16 : i32
      %mul3A_191 = arith.muli %select_n3A_189, %mul3A_190 : i32
      %swap3A_192 = arith.index_cast %select_n3A_173 : i32 to index
      %swap3A_193 = arith.index_cast %mul3A_191 : i32 to index
      %swap3A_194 = tpu.vector_load %arg9[%swap3A_192, %swap3A_193] {strides = array<i32>} : memref<128x128xf32, #tpu.memory_space<vmem>>, vector<1x16xf32>,
      %swap3A_195 = vector.shape_cast %swap3A_194 : vector<1x16xf32> to vector<16xf32>
      %swap3A_196 = vector.shape_cast %broadcast_in_dim3A_149 : vector<16xf32> to vector<1x16xf32>
      tpu.vector_store %arg9[%swap3A_192, %swap3A_193], %swap3A_196 {strides = array<i32>} : memref<128x128xf32, #tpu.memory_space<vmem>>, vector<1x16xf32>,
      %scan3A_197 = arith.constant 0 : i32
      %scan3A_198 = arith.constant 3 : i32
      %scan3A_199 = arith.addi %scan3A_51, %scan3A_198 : i32
      %broadcast_in_dim3A_200 = arith.constant 0.000000e+00 : f32
      %broadcast_in_dim3A_201 = vector.broadcast %broadcast_in_dim3A_200 : f32 to vector<16xf32>
      %jit3A_202 = arith.constant 8 : i32
      %div3A_203 = arith.divsi %scan3A_199, %jit3A_202 : i32
      %sign3A_204 = arith.constant 0 : i32
      %sign3A_205 = arith.cmpi sgt, %scan3A_199, %sign3A_204 : i32
      %sign3A_206 = arith.extui %sign3A_205 : i1 to i32
      %sign3A_207 = arith.constant 0 : i32
      %sign3A_208 = arith.cmpi slt, %scan3A_199, %sign3A_207 : i32
      %sign3A_209 = arith.extui %sign3A_208 : i1 to i32
      %sign3A_210 = arith.subi %sign3A_206, %sign3A_209 : i32
      %sign3A_211 = arith.constant 0 : i32
      %sign3A_212 = arith.cmpi sgt, %jit3A_202, %sign3A_211 : i32
      %sign3A_213 = arith.extui %sign3A_212 : i1 to i32
      %sign3A_214 = arith.constant 0 : i32
      %sign3A_215 = arith.cmpi slt, %jit3A_202, %sign3A_214 : i32
      %sign3A_216 = arith.extui %sign3A_215 : i1 to i32
      %sign3A_217 = arith.subi %sign3A_213, %sign3A_216 : i32
      %ne3A_218 = arith.cmpi ne, %sign3A_210, %sign3A_217 : i32
      %rem3A_219 = arith.remsi %scan3A_199, %jit3A_202 : i32
      %ne3A_220 = arith.constant 0 : i32
      %ne3A_221 = arith.cmpi ne, %rem3A_219, %ne3A_220 : i32
      %and3A_222 = arith.andi %ne3A_218, %ne3A_221 : i1
      %sub3A_223 = arith.constant 1 : i32
      %sub3A_224 = arith.subi %div3A_203, %sub3A_223 : i32
      %select_n3A_225 = arith.select %and3A_222, %sub3A_224, %div3A_203 : i32
      %jit3A_226 = arith.constant 8 : i32
      %eq3A_227 = arith.constant 0 : i32
      %eq3A_228 = arith.cmpi eq, %jit3A_226, %eq3A_227 : i32
      %jit3A_229 = arith.constant 1 : i32
      %select_n3A_230 = arith.select %eq3A_228, %jit3A_229, %jit3A_226 : i32
      %rem3A_231 = arith.remsi %scan3A_199, %select_n3A_230 : i32
      %ne3A_232 = arith.constant 0 : i32
      %ne3A_233 = arith.cmpi ne, %rem3A_231, %ne3A_232 : i32
      %lt3A_234 = arith.constant 0 : i32
      %lt3A_235 = arith.cmpi slt, %rem3A_231, %lt3A_234 : i32
      %lt3A_236 = arith.constant 0 : i32
      %lt3A_237 = arith.cmpi slt, %select_n3A_230, %lt3A_236 : i32
      %ne3A_238 = arith.xori %lt3A_235, %lt3A_237 : i1
      %and3A_239 = arith.andi %ne3A_238, %ne3A_233 : i1
      %add3A_240 = arith.addi %rem3A_231, %select_n3A_230 : i32
      %select_n3A_241 = arith.select %and3A_239, %add3A_240, %rem3A_231 : i32
      %mul3A_242 = arith.constant 16 : i32
      %mul3A_243 = arith.muli %select_n3A_241, %mul3A_242 : i32
      %swap3A_244 = arith.index_cast %select_n3A_225 : i32 to index
      %swap3A_245 = arith.index_cast %mul3A_243 : i32 to index
      %swap3A_246 = tpu.vector_load %arg9[%swap3A_244, %swap3A_245] {strides = array<i32>} : memref<128x128xf32, #tpu.memory_space<vmem>>, vector<1x16xf32>,
      %swap3A_247 = vector.shape_cast %swap3A_246 : vector<1x16xf32> to vector<16xf32>
      %swap3A_248 = vector.shape_cast %broadcast_in_dim3A_201 : vector<16xf32> to vector<1x16xf32>
      tpu.vector_store %arg9[%swap3A_244, %swap3A_245], %swap3A_248 {strides = array<i32>} : memref<128x128xf32, #tpu.memory_space<vmem>>, vector<1x16xf32>,
      %scan3A_249 = arith.constant 0 : i32
      scf.yield %scan3A_249 : i32
    }
    %scan3A_14 = arith.constant 1024 : i32
    %mul3A_15 = arith.constant 640 : i32
    %mul3A_16 = arith.muli %arg1, %mul3A_15 : i32
    %add3A_17 = arith.constant 0 : i32
    %add3A_18 = arith.addi %mul3A_16, %add3A_17 : i32
    "tpu.region"() ({
      %run_scoped3A = tpu.sem_alloc : memref<!tpu.dma_semaphore, #tpu.memory_space<semaphore_mem>>
      %dma_start3A = arith.constant 0 : i32
      %dma_start3A_51 = tpu.memref_slice %arg6[%add3A_18, %dma_start3A] : memref<10240x128xf32, #tpu.memory_space<vmem_shared>> -> memref<128x128xf32, #tpu.memory_space<vmem_shared>>
      %dma_start3A_52 = arith.constant 0 : i32
      %dma_start3A_53 = tpu.memref_slice %arg6[%add3A_18, %dma_start3A_52] : memref<10240x128xf32, #tpu.memory_space<vmem_shared>> -> memref<128x128xf32, #tpu.memory_space<vmem_shared>>
      tpu.enqueue_dma source(%arg9 : memref<128x128xf32, #tpu.memory_space<vmem>>) target(%dma_start3A_53 : memref<128x128xf32, #tpu.memory_space<vmem_shared>>) target_semaphore(%run_scoped3A : memref<!tpu.dma_semaphore, #tpu.memory_space<semaphore_mem>>)
      %dma_wait3A = arith.constant 0 : i32
      %dma_wait3A_54 = tpu.memref_slice %arg6[%add3A_18, %dma_wait3A] : memref<10240x128xf32, #tpu.memory_space<vmem_shared>> -> memref<128x128xf32, #tpu.memory_space<vmem_shared>>
      %dma_wait3A_55 = arith.constant 0 : i32
      %dma_wait3A_56 = tpu.memref_slice %arg6[%add3A_18, %dma_wait3A_55] : memref<10240x128xf32, #tpu.memory_space<vmem_shared>> -> memref<128x128xf32, #tpu.memory_space<vmem_shared>>
      tpu.wait_dma2 semaphore(%run_scoped3A : memref<!tpu.dma_semaphore, #tpu.memory_space<semaphore_mem>>) src(%arg9 : memref<128x128xf32, #tpu.memory_space<vmem>>) dst(%dma_wait3A_56 : memref<128x128xf32, #tpu.memory_space<vmem_shared>>)
      tpu.yield
    }) : () -> ()
    %mul3A_19 = arith.constant 640 : i32
    %mul3A_20 = arith.muli %arg1, %mul3A_19 : i32
    %add3A_21 = arith.constant 128 : i32
    %add3A_22 = arith.addi %mul3A_20, %add3A_21 : i32
    "tpu.region"() ({
      %run_scoped3A = tpu.sem_alloc : memref<!tpu.dma_semaphore, #tpu.memory_space<semaphore_mem>>
      %dma_start3A = arith.constant 0 : i32
      %dma_start3A_51 = tpu.memref_slice %arg6[%add3A_22, %dma_start3A] : memref<10240x128xf32, #tpu.memory_space<vmem_shared>> -> memref<128x128xf32, #tpu.memory_space<vmem_shared>>
      %dma_start3A_52 = arith.constant 0 : i32
      %dma_start3A_53 = tpu.memref_slice %arg6[%add3A_22, %dma_start3A_52] : memref<10240x128xf32, #tpu.memory_space<vmem_shared>> -> memref<128x128xf32, #tpu.memory_space<vmem_shared>>
      tpu.enqueue_dma source(%arg9 : memref<128x128xf32, #tpu.memory_space<vmem>>) target(%dma_start3A_53 : memref<128x128xf32, #tpu.memory_space<vmem_shared>>) target_semaphore(%run_scoped3A : memref<!tpu.dma_semaphore, #tpu.memory_space<semaphore_mem>>)
      %dma_wait3A = arith.constant 0 : i32
      %dma_wait3A_54 = tpu.memref_slice %arg6[%add3A_22, %dma_wait3A] : memref<10240x128xf32, #tpu.memory_space<vmem_shared>> -> memref<128x128xf32, #tpu.memory_space<vmem_shared>>
      %dma_wait3A_55 = arith.constant 0 : i32
      %dma_wait3A_56 = tpu.memref_slice %arg6[%add3A_22, %dma_wait3A_55] : memref<10240x128xf32, #tpu.memory_space<vmem_shared>> -> memref<128x128xf32, #tpu.memory_space<vmem_shared>>
      tpu.wait_dma2 semaphore(%run_scoped3A : memref<!tpu.dma_semaphore, #tpu.memory_space<semaphore_mem>>) src(%arg9 : memref<128x128xf32, #tpu.memory_space<vmem>>) dst(%dma_wait3A_56 : memref<128x128xf32, #tpu.memory_space<vmem_shared>>)
      tpu.yield
    }) : () -> ()
    %mul3A_23 = arith.constant 640 : i32
    %mul3A_24 = arith.muli %arg1, %mul3A_23 : i32
    %add3A_25 = arith.constant 256 : i32
    %add3A_26 = arith.addi %mul3A_24, %add3A_25 : i32
    "tpu.region"() ({
      %run_scoped3A = tpu.sem_alloc : memref<!tpu.dma_semaphore, #tpu.memory_space<semaphore_mem>>
      %dma_start3A = arith.constant 0 : i32
      %dma_start3A_51 = tpu.memref_slice %arg6[%add3A_26, %dma_start3A] : memref<10240x128xf32, #tpu.memory_space<vmem_shared>> -> memref<128x128xf32, #tpu.memory_space<vmem_shared>>
      %dma_start3A_52 = arith.constant 0 : i32
      %dma_start3A_53 = tpu.memref_slice %arg6[%add3A_26, %dma_start3A_52] : memref<10240x128xf32, #tpu.memory_space<vmem_shared>> -> memref<128x128xf32, #tpu.memory_space<vmem_shared>>
      tpu.enqueue_dma source(%arg9 : memref<128x128xf32, #tpu.memory_space<vmem>>) target(%dma_start3A_53 : memref<128x128xf32, #tpu.memory_space<vmem_shared>>) target_semaphore(%run_scoped3A : memref<!tpu.dma_semaphore, #tpu.memory_space<semaphore_mem>>)
      %dma_wait3A = arith.constant 0 : i32
      %dma_wait3A_54 = tpu.memref_slice %arg6[%add3A_26, %dma_wait3A] : memref<10240x128xf32, #tpu.memory_space<vmem_shared>> -> memref<128x128xf32, #tpu.memory_space<vmem_shared>>
      %dma_wait3A_55 = arith.constant 0 : i32
      %dma_wait3A_56 = tpu.memref_slice %arg6[%add3A_26, %dma_wait3A_55] : memref<10240x128xf32, #tpu.memory_space<vmem_shared>> -> memref<128x128xf32, #tpu.memory_space<vmem_shared>>
      tpu.wait_dma2 semaphore(%run_scoped3A : memref<!tpu.dma_semaphore, #tpu.memory_space<semaphore_mem>>) src(%arg9 : memref<128x128xf32, #tpu.memory_space<vmem>>) dst(%dma_wait3A_56 : memref<128x128xf32, #tpu.memory_space<vmem_shared>>)
      tpu.yield
    }) : () -> ()
    %mul3A_27 = arith.constant 640 : i32
    %mul3A_28 = arith.muli %arg1, %mul3A_27 : i32
    %add3A_29 = arith.constant 384 : i32
    %add3A_30 = arith.addi %mul3A_28, %add3A_29 : i32
    "tpu.region"() ({
      %run_scoped3A = tpu.sem_alloc : memref<!tpu.dma_semaphore, #tpu.memory_space<semaphore_mem>>
      %dma_start3A = arith.constant 0 : i32
      %dma_start3A_51 = tpu.memref_slice %arg6[%add3A_30, %dma_start3A] : memref<10240x128xf32, #tpu.memory_space<vmem_shared>> -> memref<128x128xf32, #tpu.memory_space<vmem_shared>>
      %dma_start3A_52 = arith.constant 0 : i32
      %dma_start3A_53 = tpu.memref_slice %arg6[%add3A_30, %dma_start3A_52] : memref<10240x128xf32, #tpu.memory_space<vmem_shared>> -> memref<128x128xf32, #tpu.memory_space<vmem_shared>>
      tpu.enqueue_dma source(%arg9 : memref<128x128xf32, #tpu.memory_space<vmem>>) target(%dma_start3A_53 : memref<128x128xf32, #tpu.memory_space<vmem_shared>>) target_semaphore(%run_scoped3A : memref<!tpu.dma_semaphore, #tpu.memory_space<semaphore_mem>>)
      %dma_wait3A = arith.constant 0 : i32
      %dma_wait3A_54 = tpu.memref_slice %arg6[%add3A_30, %dma_wait3A] : memref<10240x128xf32, #tpu.memory_space<vmem_shared>> -> memref<128x128xf32, #tpu.memory_space<vmem_shared>>
      %dma_wait3A_55 = arith.constant 0 : i32
      %dma_wait3A_56 = tpu.memref_slice %arg6[%add3A_30, %dma_wait3A_55] : memref<10240x128xf32, #tpu.memory_space<vmem_shared>> -> memref<128x128xf32, #tpu.memory_space<vmem_shared>>
      tpu.wait_dma2 semaphore(%run_scoped3A : memref<!tpu.dma_semaphore, #tpu.memory_space<semaphore_mem>>) src(%arg9 : memref<128x128xf32, #tpu.memory_space<vmem>>) dst(%dma_wait3A_56 : memref<128x128xf32, #tpu.memory_space<vmem_shared>>)
      tpu.yield
    }) : () -> ()
    %mul3A_31 = arith.constant 640 : i32
    %mul3A_32 = arith.muli %arg1, %mul3A_31 : i32
    %add3A_33 = arith.constant 512 : i32
    %add3A_34 = arith.addi %mul3A_32, %add3A_33 : i32
    "tpu.region"() ({
      %run_scoped3A = tpu.sem_alloc : memref<!tpu.dma_semaphore, #tpu.memory_space<semaphore_mem>>
      %dma_start3A = arith.constant 0 : i32
      %dma_start3A_51 = tpu.memref_slice %arg6[%add3A_34, %dma_start3A] : memref<10240x128xf32, #tpu.memory_space<vmem_shared>> -> memref<128x128xf32, #tpu.memory_space<vmem_shared>>
      %dma_start3A_52 = arith.constant 0 : i32
      %dma_start3A_53 = tpu.memref_slice %arg6[%add3A_34, %dma_start3A_52] : memref<10240x128xf32, #tpu.memory_space<vmem_shared>> -> memref<128x128xf32, #tpu.memory_space<vmem_shared>>
      tpu.enqueue_dma source(%arg9 : memref<128x128xf32, #tpu.memory_space<vmem>>) target(%dma_start3A_53 : memref<128x128xf32, #tpu.memory_space<vmem_shared>>) target_semaphore(%run_scoped3A : memref<!tpu.dma_semaphore, #tpu.memory_space<semaphore_mem>>)
      %dma_wait3A = arith.constant 0 : i32
      %dma_wait3A_54 = tpu.memref_slice %arg6[%add3A_34, %dma_wait3A] : memref<10240x128xf32, #tpu.memory_space<vmem_shared>> -> memref<128x128xf32, #tpu.memory_space<vmem_shared>>
      %dma_wait3A_55 = arith.constant 0 : i32
      %dma_wait3A_56 = tpu.memref_slice %arg6[%add3A_34, %dma_wait3A_55] : memref<10240x128xf32, #tpu.memory_space<vmem_shared>> -> memref<128x128xf32, #tpu.memory_space<vmem_shared>>
      tpu.wait_dma2 semaphore(%run_scoped3A : memref<!tpu.dma_semaphore, #tpu.memory_space<semaphore_mem>>) src(%arg9 : memref<128x128xf32, #tpu.memory_space<vmem>>) dst(%dma_wait3A_56 : memref<128x128xf32, #tpu.memory_space<vmem_shared>>)
      tpu.yield
    }) : () -> ()
    "tpu.region"() ({
      %run_scoped3A = tpu.sem_alloc : memref<!tpu.dma_semaphore, #tpu.memory_space<semaphore_mem>>
      %dma_start3A = arith.constant 0 : i32
      %dma_start3A_51 = tpu.memref_slice %arg3[%select_n3A, %dma_start3A] : memref<2560x128xi32, #tpu.memory_space<hbm>> -> memref<80x128xi32, #tpu.memory_space<hbm>>
      %dma_start3A_52 = arith.constant 0 : i32
      %dma_start3A_53 = tpu.memref_slice %arg3[%select_n3A, %dma_start3A_52] : memref<2560x128xi32, #tpu.memory_space<hbm>> -> memref<80x128xi32, #tpu.memory_space<hbm>>
      tpu.enqueue_dma source(%dma_start3A_53 : memref<80x128xi32, #tpu.memory_space<hbm>>) target(%arg7 : memref<80x128xi32, #tpu.memory_space<vmem>>) target_semaphore(%run_scoped3A : memref<!tpu.dma_semaphore, #tpu.memory_space<semaphore_mem>>)
      %dma_wait3A = arith.constant 0 : i32
      %dma_wait3A_54 = tpu.memref_slice %arg3[%select_n3A, %dma_wait3A] : memref<2560x128xi32, #tpu.memory_space<hbm>> -> memref<80x128xi32, #tpu.memory_space<hbm>>
      %dma_wait3A_55 = arith.constant 0 : i32
      %dma_wait3A_56 = tpu.memref_slice %arg3[%select_n3A, %dma_wait3A_55] : memref<2560x128xi32, #tpu.memory_space<hbm>> -> memref<80x128xi32, #tpu.memory_space<hbm>>
      tpu.wait_dma2 semaphore(%run_scoped3A : memref<!tpu.dma_semaphore, #tpu.memory_space<semaphore_mem>>) src(%dma_wait3A_56 : memref<80x128xi32, #tpu.memory_space<hbm>>) dst(%arg7 : memref<80x128xi32, #tpu.memory_space<vmem>>)
      tpu.yield
    }) : () -> ()
    "tpu.region"() ({
      %run_scoped3A = tpu.sem_alloc : memref<!tpu.dma_semaphore, #tpu.memory_space<semaphore_mem>>
      %dma_start3A = arith.constant 0 : i32
      %dma_start3A_51 = tpu.memref_slice %arg4[%select_n3A, %dma_start3A] : memref<2560x128xi32, #tpu.memory_space<hbm>> -> memref<80x128xi32, #tpu.memory_space<hbm>>
      %dma_start3A_52 = arith.constant 0 : i32
      %dma_start3A_53 = tpu.memref_slice %arg4[%select_n3A, %dma_start3A_52] : memref<2560x128xi32, #tpu.memory_space<hbm>> -> memref<80x128xi32, #tpu.memory_space<hbm>>
      tpu.enqueue_dma source(%dma_start3A_53 : memref<80x128xi32, #tpu.memory_space<hbm>>) target(%arg8 : memref<80x128xi32, #tpu.memory_space<vmem>>) target_semaphore(%run_scoped3A : memref<!tpu.dma_semaphore, #tpu.memory_space<semaphore_mem>>)
      %dma_wait3A = arith.constant 0 : i32
      %dma_wait3A_54 = tpu.memref_slice %arg4[%select_n3A, %dma_wait3A] : memref<2560x128xi32, #tpu.memory_space<hbm>> -> memref<80x128xi32, #tpu.memory_space<hbm>>
      %dma_wait3A_55 = arith.constant 0 : i32
      %dma_wait3A_56 = tpu.memref_slice %arg4[%select_n3A, %dma_wait3A_55] : memref<2560x128xi32, #tpu.memory_space<hbm>> -> memref<80x128xi32, #tpu.memory_space<hbm>>
      tpu.wait_dma2 semaphore(%run_scoped3A : memref<!tpu.dma_semaphore, #tpu.memory_space<semaphore_mem>>) src(%dma_wait3A_56 : memref<80x128xi32, #tpu.memory_space<hbm>>) dst(%arg8 : memref<80x128xi32, #tpu.memory_space<vmem>>)
      tpu.yield
    }) : () -> ()
    %barrier3A = arith.constant 0 : index
    tpu.barrier barrier_id(%barrier3A)
    %while3A = arith.constant 0 : i32
    %while3A_35 = arith.constant 0 : i32
    %while3A_36 = arith.subi %select_n3A_8, %while3A : i32
    %while3A_37 = arith.addi %while3A, %while3A_36 : i32
    %while3A_38 = arith.constant 1 : i32
    %while3A_39 = arith.divsi %while3A_36, %while3A_38 : i32
    %while3A_40 = arith.muli %while3A_39, %while3A_38 : i32
    %while3A_41 = arith.addi %while3A, %while3A_40 : i32
    %while3A_42 = arith.constant 1 : i32
    %while3A_43 = scf.for %while3A_51 = %while3A to %while3A_41 step %while3A_42 iter_args(%while3A_52 = %while3A_35) -> (i32)  : i32 {
      %dma_start3A = arith.constant 0 : i32
      %dma_start3A_53 = tpu.memref_slice %arg7[%while3A_51, %dma_start3A] : memref<80x128xi32, #tpu.memory_space<vmem>> -> memref<1x128xi32, #tpu.memory_space<vmem>>
      %dma_start3A_54 = tpu.memref_squeeze %dma_start3A_53 : memref<1x128xi32, #tpu.memory_space<vmem>> -> memref<128xi32, #tpu.memory_space<vmem>>
      %dma_start3A_55 = arith.constant 0 : i32
      %dma_start3A_56 = arith.constant 0 : i32
      %dma_start3A_57 = tpu.memref_slice %arg2[%dma_start3A_55, %dma_start3A_56] : memref<10112x128xf32, #tpu.memory_space<hbm>> -> memref<10112x128xf32, #tpu.memory_space<hbm>>
      tpu.enqueue_indirect_dma source(%dma_start3A_57 : memref<10112x128xf32, #tpu.memory_space<hbm>>) target(%arg9 : memref<128x128xf32, #tpu.memory_space<vmem>>) offsets(%dma_start3A_54 : memref<128xi32, #tpu.memory_space<vmem>>) semaphore(%arg10 : memref<!tpu.dma_semaphore, #tpu.memory_space<semaphore_mem>>)
      %dma_wait3A = arith.constant 0 : i32
      %dma_wait3A_58 = tpu.memref_slice %arg7[%while3A_51, %dma_wait3A] : memref<80x128xi32, #tpu.memory_space<vmem>> -> memref<1x128xi32, #tpu.memory_space<vmem>>
      %dma_wait3A_59 = tpu.memref_squeeze %dma_wait3A_58 : memref<1x128xi32, #tpu.memory_space<vmem>> -> memref<128xi32, #tpu.memory_space<vmem>>
      %dma_wait3A_60 = arith.constant 0 : i32
      %dma_wait3A_61 = arith.constant 0 : i32
      %dma_wait3A_62 = tpu.memref_slice %arg2[%dma_wait3A_60, %dma_wait3A_61] : memref<10112x128xf32, #tpu.memory_space<hbm>> -> memref<10112x128xf32, #tpu.memory_space<hbm>>
      tpu.wait_indirect_dma semaphore(%arg10 : memref<!tpu.dma_semaphore, #tpu.memory_space<semaphore_mem>>) src(%dma_wait3A_62 : memref<10112x128xf32, #tpu.memory_space<hbm>>) dst(%arg9 : memref<128x128xf32, #tpu.memory_space<vmem>>)
      "tpu.region"() ({
        %run_scoped3A = tpu.sem_alloc : memref<!tpu.dma_semaphore, #tpu.memory_space<semaphore_mem>>
        %dma_start3A_64 = arith.constant 0 : i32
        %dma_start3A_65 = tpu.memref_slice %arg8[%while3A_51, %dma_start3A_64] : memref<80x128xi32, #tpu.memory_space<vmem>> -> memref<1x128xi32, #tpu.memory_space<vmem>>
        %dma_start3A_66 = tpu.memref_squeeze %dma_start3A_65 : memref<1x128xi32, #tpu.memory_space<vmem>> -> memref<128xi32, #tpu.memory_space<vmem>>
        %dma_start3A_67 = arith.constant 0 : i32
        %dma_start3A_68 = arith.constant 0 : i32
        %dma_start3A_69 = tpu.memref_slice %arg6[%dma_start3A_67, %dma_start3A_68] : memref<10240x128xf32, #tpu.memory_space<vmem_shared>> -> memref<10240x128xf32, #tpu.memory_space<vmem_shared>>
        tpu.enqueue_indirect_dma source(%arg9 : memref<128x128xf32, #tpu.memory_space<vmem>>) target(%dma_start3A_69 : memref<10240x128xf32, #tpu.memory_space<vmem_shared>>) offsets(%dma_start3A_66 : memref<128xi32, #tpu.memory_space<vmem>>) semaphore(%run_scoped3A : memref<!tpu.dma_semaphore, #tpu.memory_space<semaphore_mem>>) {add = true}
        %dma_wait3A_70 = arith.constant 0 : i32
        %dma_wait3A_71 = tpu.memref_slice %arg8[%while3A_51, %dma_wait3A_70] : memref<80x128xi32, #tpu.memory_space<vmem>> -> memref<1x128xi32, #tpu.memory_space<vmem>>
        %dma_wait3A_72 = tpu.memref_squeeze %dma_wait3A_71 : memref<1x128xi32, #tpu.memory_space<vmem>> -> memref<128xi32, #tpu.memory_space<vmem>>
        %dma_wait3A_73 = arith.constant 0 : i32
        %dma_wait3A_74 = arith.constant 0 : i32
        %dma_wait3A_75 = tpu.memref_slice %arg6[%dma_wait3A_73, %dma_wait3A_74] : memref<10240x128xf32, #tpu.memory_space<vmem_shared>> -> memref<10240x128xf32, #tpu.memory_space<vmem_shared>>
        tpu.wait_indirect_dma semaphore(%run_scoped3A : memref<!tpu.dma_semaphore, #tpu.memory_space<semaphore_mem>>) src(%arg9 : memref<128x128xf32, #tpu.memory_space<vmem>>) dst(%dma_wait3A_75 : memref<10240x128xf32, #tpu.memory_space<vmem_shared>>)
        tpu.yield
      }) : () -> ()
      %while3A_63 = arith.constant 0 : i32
      scf.yield %while3A_63 : i32
    }
    %while3A_44 = arith.constant 1 : i32
    %while3A_45 = scf.for %while3A_51 = %while3A_41 to %while3A_37 step %while3A_44 iter_args(%while3A_52 = %while3A_43) -> (i32)  : i32 {
      %dma_start3A = arith.constant 0 : i32
      %dma_start3A_53 = tpu.memref_slice %arg7[%while3A_51, %dma_start3A] : memref<80x128xi32, #tpu.memory_space<vmem>> -> memref<1x128xi32, #tpu.memory_space<vmem>>
      %dma_start3A_54 = tpu.memref_squeeze %dma_start3A_53 : memref<1x128xi32, #tpu.memory_space<vmem>> -> memref<128xi32, #tpu.memory_space<vmem>>
      %dma_start3A_55 = arith.constant 0 : i32
      %dma_start3A_56 = arith.constant 0 : i32
      %dma_start3A_57 = tpu.memref_slice %arg2[%dma_start3A_55, %dma_start3A_56] : memref<10112x128xf32, #tpu.memory_space<hbm>> -> memref<10112x128xf32, #tpu.memory_space<hbm>>
      tpu.enqueue_indirect_dma source(%dma_start3A_57 : memref<10112x128xf32, #tpu.memory_space<hbm>>) target(%arg9 : memref<128x128xf32, #tpu.memory_space<vmem>>) offsets(%dma_start3A_54 : memref<128xi32, #tpu.memory_space<vmem>>) semaphore(%arg10 : memref<!tpu.dma_semaphore, #tpu.memory_space<semaphore_mem>>)
      %dma_wait3A = arith.constant 0 : i32
      %dma_wait3A_58 = tpu.memref_slice %arg7[%while3A_51, %dma_wait3A] : memref<80x128xi32, #tpu.memory_space<vmem>> -> memref<1x128xi32, #tpu.memory_space<vmem>>
      %dma_wait3A_59 = tpu.memref_squeeze %dma_wait3A_58 : memref<1x128xi32, #tpu.memory_space<vmem>> -> memref<128xi32, #tpu.memory_space<vmem>>
      %dma_wait3A_60 = arith.constant 0 : i32
      %dma_wait3A_61 = arith.constant 0 : i32
      %dma_wait3A_62 = tpu.memref_slice %arg2[%dma_wait3A_60, %dma_wait3A_61] : memref<10112x128xf32, #tpu.memory_space<hbm>> -> memref<10112x128xf32, #tpu.memory_space<hbm>>
      tpu.wait_indirect_dma semaphore(%arg10 : memref<!tpu.dma_semaphore, #tpu.memory_space<semaphore_mem>>) src(%dma_wait3A_62 : memref<10112x128xf32, #tpu.memory_space<hbm>>) dst(%arg9 : memref<128x128xf32, #tpu.memory_space<vmem>>)
      "tpu.region"() ({
        %run_scoped3A = tpu.sem_alloc : memref<!tpu.dma_semaphore, #tpu.memory_space<semaphore_mem>>
        %dma_start3A_64 = arith.constant 0 : i32
        %dma_start3A_65 = tpu.memref_slice %arg8[%while3A_51, %dma_start3A_64] : memref<80x128xi32, #tpu.memory_space<vmem>> -> memref<1x128xi32, #tpu.memory_space<vmem>>
        %dma_start3A_66 = tpu.memref_squeeze %dma_start3A_65 : memref<1x128xi32, #tpu.memory_space<vmem>> -> memref<128xi32, #tpu.memory_space<vmem>>
        %dma_start3A_67 = arith.constant 0 : i32
        %dma_start3A_68 = arith.constant 0 : i32
        %dma_start3A_69 = tpu.memref_slice %arg6[%dma_start3A_67, %dma_start3A_68] : memref<10240x128xf32, #tpu.memory_space<vmem_shared>> -> memref<10240x128xf32, #tpu.memory_space<vmem_shared>>
        tpu.enqueue_indirect_dma source(%arg9 : memref<128x128xf32, #tpu.memory_space<vmem>>) target(%dma_start3A_69 : memref<10240x128xf32, #tpu.memory_space<vmem_shared>>) offsets(%dma_start3A_66 : memref<128xi32, #tpu.memory_space<vmem>>) semaphore(%run_scoped3A : memref<!tpu.dma_semaphore, #tpu.memory_space<semaphore_mem>>) {add = true}
        %dma_wait3A_70 = arith.constant 0 : i32
        %dma_wait3A_71 = tpu.memref_slice %arg8[%while3A_51, %dma_wait3A_70] : memref<80x128xi32, #tpu.memory_space<vmem>> -> memref<1x128xi32, #tpu.memory_space<vmem>>
        %dma_wait3A_72 = tpu.memref_squeeze %dma_wait3A_71 : memref<1x128xi32, #tpu.memory_space<vmem>> -> memref<128xi32, #tpu.memory_space<vmem>>
        %dma_wait3A_73 = arith.constant 0 : i32
        %dma_wait3A_74 = arith.constant 0 : i32
        %dma_wait3A_75 = tpu.memref_slice %arg6[%dma_wait3A_73, %dma_wait3A_74] : memref<10240x128xf32, #tpu.memory_space<vmem_shared>> -> memref<10240x128xf32, #tpu.memory_space<vmem_shared>>
        tpu.wait_indirect_dma semaphore(%run_scoped3A : memref<!tpu.dma_semaphore, #tpu.memory_space<semaphore_mem>>) src(%arg9 : memref<128x128xf32, #tpu.memory_space<vmem>>) dst(%dma_wait3A_75 : memref<10240x128xf32, #tpu.memory_space<vmem_shared>>)
        tpu.yield
      }) : () -> ()
      %while3A_63 = arith.constant 0 : i32
      scf.yield %while3A_63 : i32
    }
    %barrier3A_46 = arith.constant 0 : index
    tpu.barrier barrier_id(%barrier3A_46)
    %mul3A_47 = arith.constant 632 : i32
    %mul3A_48 = arith.muli %arg1, %mul3A_47 : i32
    %mul3A_49 = arith.constant 632 : i32
    %mul3A_50 = arith.muli %arg1, %mul3A_49 : i32
    "tpu.region"() ({
      %run_scoped3A = tpu.sem_alloc : memref<!tpu.dma_semaphore, #tpu.memory_space<semaphore_mem>>
      %dma_start3A = arith.constant 0 : i32
      %dma_start3A_51 = tpu.memref_slice %arg5[%arg0, %mul3A_50, %dma_start3A] : memref<2x10112x128xf32, #tpu.memory_space<hbm>> -> memref<1x632x128xf32, #tpu.memory_space<hbm>>
      %dma_start3A_52 = tpu.memref_squeeze %dma_start3A_51 : memref<1x632x128xf32, #tpu.memory_space<hbm>> -> memref<632x128xf32, #tpu.memory_space<hbm>>
      %dma_start3A_53 = arith.constant 0 : i32
      %dma_start3A_54 = tpu.memref_slice %arg6[%mul3A_48, %dma_start3A_53] : memref<10240x128xf32, #tpu.memory_space<vmem_shared>> -> memref<632x128xf32, #tpu.memory_space<vmem_shared>>
      tpu.enqueue_dma source(%dma_start3A_54 : memref<632x128xf32, #tpu.memory_space<vmem_shared>>) target(%dma_start3A_52 : memref<632x128xf32, #tpu.memory_space<hbm>>) target_semaphore(%run_scoped3A : memref<!tpu.dma_semaphore, #tpu.memory_space<semaphore_mem>>)
      %dma_wait3A = arith.constant 0 : i32
      %dma_wait3A_55 = tpu.memref_slice %arg5[%arg0, %mul3A_50, %dma_wait3A] : memref<2x10112x128xf32, #tpu.memory_space<hbm>> -> memref<1x632x128xf32, #tpu.memory_space<hbm>>
      %dma_wait3A_56 = tpu.memref_squeeze %dma_wait3A_55 : memref<1x632x128xf32, #tpu.memory_space<hbm>> -> memref<632x128xf32, #tpu.memory_space<hbm>>
      %dma_wait3A_57 = arith.constant 0 : i32
      %dma_wait3A_58 = tpu.memref_slice %arg6[%mul3A_48, %dma_wait3A_57] : memref<10240x128xf32, #tpu.memory_space<vmem_shared>> -> memref<632x128xf32, #tpu.memory_space<vmem_shared>>
      tpu.wait_dma2 semaphore(%run_scoped3A : memref<!tpu.dma_semaphore, #tpu.memory_space<semaphore_mem>>) src(%dma_wait3A_58 : memref<632x128xf32, #tpu.memory_space<vmem_shared>>) dst(%dma_wait3A_56 : memref<632x128xf32, #tpu.memory_space<hbm>>)
      tpu.yield
    }) : () -> ()
    return
  }
}

module attributes {stable_mosaic.version = 14 : i64} {
  func.func @_tc2_body(%arg0: memref<2x10112x128xf32, #tpu.memory_space<vmem>>, %arg1: memref<10112x128xf32, #tpu.memory_space<vmem>>, %arg2: memref<10112x1xf32, #tpu.memory_space<vmem>>, %arg3: memref<128xf32, #tpu.memory_space<vmem>>, %arg4: memref<128xf32, #tpu.memory_space<vmem>>, %arg5: memref<128xf32, #tpu.memory_space<vmem>>, %arg6: memref<128x128xf32, #tpu.memory_space<vmem>>, %arg7: memref<10112x128xf32, #tpu.memory_space<vmem>>, %arg8: memref<10112x128xf32, #tpu.memory_space<vmem>>) attributes {dimension_semantics = [], scalar_prefetch = 0 : i64, scratch_operands = 0 : i64, tpu.core_type = #tpu.core_type<tc>} {
    %get3A = arith.constant 0 : index
    %get3A_0 = arith.constant 0 : index
    %get3A_1 = vector.load %arg2[%get3A, %get3A_0] : memref<10112x1xf32, #tpu.memory_space<vmem>>, vector<10112x1xf32>
    %get3A_2 = arith.constant 0 : index
    %get3A_3 = arith.constant 0 : index
    %get3A_4 = arith.constant 0 : index
    %get3A_5 = vector.load %arg0[%get3A_2, %get3A_3, %get3A_4] : memref<2x10112x128xf32, #tpu.memory_space<vmem>>, vector<1x10112x128xf32>
    %get3A_6 = vector.shape_cast %get3A_5 : vector<1x10112x128xf32> to vector<10112x128xf32>
    %get3A_7 = arith.constant 1 : index
    %get3A_8 = arith.constant 0 : index
    %get3A_9 = arith.constant 0 : index
    %get3A_10 = vector.load %arg0[%get3A_7, %get3A_8, %get3A_9] : memref<2x10112x128xf32, #tpu.memory_space<vmem>>, vector<1x10112x128xf32>
    %get3A_11 = vector.shape_cast %get3A_10 : vector<1x10112x128xf32> to vector<10112x128xf32>
    %add3A = arith.addf %get3A_6, %get3A_11 : vector<10112x128xf32>
    %get3A_12 = arith.constant 0 : index
    %get3A_13 = arith.constant 0 : index
    %get3A_14 = vector.load %arg1[%get3A_12, %get3A_13] : memref<10112x128xf32, #tpu.memory_space<vmem>>, vector<10112x128xf32>
    %add3A_15 = arith.addf %add3A, %get3A_14 : vector<10112x128xf32>
    %mul3A = vector.broadcast %get3A_1 : vector<10112x1xf32> to vector<10112x128xf32>
    %mul3A_16 = arith.mulf %mul3A, %add3A_15 : vector<10112x128xf32>
    %get3A_17 = arith.constant 0 : index
    %get3A_18 = vector.load %arg3[%get3A_17] : memref<128xf32, #tpu.memory_space<vmem>>, vector<128xf32>
    %broadcast_in_dim3A = vector.shape_cast %get3A_18 : vector<128xf32> to vector<1x128xf32>
    %add3A_19 = vector.broadcast %broadcast_in_dim3A : vector<1x128xf32> to vector<10112x128xf32>
    %add3A_20 = arith.addf %mul3A_16, %add3A_19 : vector<10112x128xf32>
    %reduce_sum3A = arith.constant dense<0.000000e+00> : vector<10112xf32>
    %reduce_sum3A_21 = vector.multi_reduction <add>, %add3A_20, %reduce_sum3A [1] : vector<10112x128xf32> to vector<10112xf32>
    %broadcast_in_dim3A_22 = vector.shape_cast %reduce_sum3A_21 : vector<10112xf32> to vector<10112x1xf32>
    %div3A = arith.constant 1.280000e+02 : f32
    %div3A_23 = vector.broadcast %div3A : f32 to vector<10112x1xf32>
    %div3A_24 = arith.divf %broadcast_in_dim3A_22, %div3A_23 : vector<10112x1xf32>
    %sub3A = vector.broadcast %div3A_24 : vector<10112x1xf32> to vector<10112x128xf32>
    %sub3A_25 = arith.subf %add3A_20, %sub3A : vector<10112x128xf32>
    %integer_pow3A = arith.mulf %sub3A_25, %sub3A_25 : vector<10112x128xf32>
    %reduce_sum3A_26 = arith.constant dense<0.000000e+00> : vector<10112xf32>
    %reduce_sum3A_27 = vector.multi_reduction <add>, %integer_pow3A, %reduce_sum3A_26 [1] : vector<10112x128xf32> to vector<10112xf32>
    %broadcast_in_dim3A_28 = vector.shape_cast %reduce_sum3A_27 : vector<10112xf32> to vector<10112x1xf32>
    %div3A_29 = arith.constant 1.280000e+02 : f32
    %div3A_30 = vector.broadcast %div3A_29 : f32 to vector<10112x1xf32>
    %div3A_31 = arith.divf %broadcast_in_dim3A_28, %div3A_30 : vector<10112x1xf32>
    %sub3A_32 = vector.broadcast %div3A_24 : vector<10112x1xf32> to vector<10112x128xf32>
    %sub3A_33 = arith.subf %add3A_20, %sub3A_32 : vector<10112x128xf32>
    %add3A_34 = arith.constant 9.99999974E-6 : f32
    %add3A_35 = vector.broadcast %add3A_34 : f32 to vector<10112x1xf32>
    %add3A_36 = arith.addf %div3A_31, %add3A_35 : vector<10112x1xf32>
    %rsqrt3A = math.rsqrt %add3A_36 : vector<10112x1xf32>
    %mul3A_37 = vector.broadcast %rsqrt3A : vector<10112x1xf32> to vector<10112x128xf32>
    %mul3A_38 = arith.mulf %sub3A_33, %mul3A_37 : vector<10112x128xf32>
    %get3A_39 = arith.constant 0 : index
    %get3A_40 = vector.load %arg4[%get3A_39] : memref<128xf32, #tpu.memory_space<vmem>>, vector<128xf32>
    %broadcast_in_dim3A_41 = vector.shape_cast %get3A_40 : vector<128xf32> to vector<1x128xf32>
    %mul3A_42 = vector.broadcast %broadcast_in_dim3A_41 : vector<1x128xf32> to vector<10112x128xf32>
    %mul3A_43 = arith.mulf %mul3A_38, %mul3A_42 : vector<10112x128xf32>
    %get3A_44 = arith.constant 0 : index
    %get3A_45 = vector.load %arg5[%get3A_44] : memref<128xf32, #tpu.memory_space<vmem>>, vector<128xf32>
    %broadcast_in_dim3A_46 = vector.shape_cast %get3A_45 : vector<128xf32> to vector<1x128xf32>
    %add3A_47 = vector.broadcast %broadcast_in_dim3A_46 : vector<1x128xf32> to vector<10112x128xf32>
    %add3A_48 = arith.addf %mul3A_43, %add3A_47 : vector<10112x128xf32>
    %max3A = arith.constant 0.000000e+00 : f32
    %max3A_49 = vector.broadcast %max3A : f32 to vector<10112x128xf32>
    %max3A_50 = arith.maximumf %add3A_48, %max3A_49 : vector<10112x128xf32>
    %swap3A = arith.constant 0 : index
    %swap3A_51 = arith.constant 0 : index
    %swap3A_52 = vector.load %arg7[%swap3A, %swap3A_51] : memref<10112x128xf32, #tpu.memory_space<vmem>>, vector<10112x128xf32>
    tpu.vector_store %arg7[%swap3A, %swap3A_51], %max3A_50 {strides = array<i32>} : memref<10112x128xf32, #tpu.memory_space<vmem>>, vector<10112x128xf32>,
    %get3A_53 = arith.constant 0 : index
    %get3A_54 = arith.constant 0 : index
    %get3A_55 = vector.load %arg6[%get3A_53, %get3A_54] : memref<128x128xf32, #tpu.memory_space<vmem>>, vector<128x128xf32>
    %dot_general3A = arith.constant dense<0.000000e+00> : vector<10112x128xf32>
    %dot_general3A_56 = tpu.matmul %max3A_50, %get3A_55, %dot_general3A {dimension_numbers = #tpu.dot_dimension_numbers<[1], [0], [0], [1], [0, 0, 1, 1], [], []>, transpose_lhs_hint = false} : vector<10112x128xf32>, vector<128x128xf32>, vector<10112x128xf32> -> vector<10112x128xf32>
    %mul3A_57 = vector.broadcast %get3A_1 : vector<10112x1xf32> to vector<10112x128xf32>
    %mul3A_58 = arith.mulf %dot_general3A_56, %mul3A_57 : vector<10112x128xf32>
    %swap3A_59 = arith.constant 0 : index
    %swap3A_60 = arith.constant 0 : index
    %swap3A_61 = vector.load %arg8[%swap3A_59, %swap3A_60] : memref<10112x128xf32, #tpu.memory_space<vmem>>, vector<10112x128xf32>
    tpu.vector_store %arg8[%swap3A_59, %swap3A_60], %mul3A_58 {strides = array<i32>} : memref<10112x128xf32, #tpu.memory_space<vmem>>, vector<10112x128xf32>,
    return
  }
}

module attributes {stable_mosaic.version = 14 : i64} {
  func.func @_tc1_body(%arg0: memref<2x10112x1xf32, #tpu.memory_space<vmem>>, %arg1: memref<10000x128xf32, #tpu.memory_space<vmem>>, %arg2: memref<128x128xf32, #tpu.memory_space<vmem>>, %arg3: memref<10112x1xf32, #tpu.memory_space<vmem>>, %arg4: memref<10112x128xf32, #tpu.memory_space<vmem>>) attributes {dimension_semantics = [], scalar_prefetch = 0 : i64, scratch_operands = 0 : i64, tpu.core_type = #tpu.core_type<tc>} {
    %get3A = arith.constant 0 : index
    %get3A_0 = arith.constant 0 : index
    %get3A_1 = arith.constant 0 : index
    %get3A_2 = vector.load %arg0[%get3A, %get3A_0, %get3A_1] : memref<2x10112x1xf32, #tpu.memory_space<vmem>>, vector<1x10112x1xf32>
    %get3A_3 = vector.shape_cast %get3A_2 : vector<1x10112x1xf32> to vector<10112x1xf32>
    %get3A_4 = arith.constant 1 : index
    %get3A_5 = arith.constant 0 : index
    %get3A_6 = arith.constant 0 : index
    %get3A_7 = vector.load %arg0[%get3A_4, %get3A_5, %get3A_6] : memref<2x10112x1xf32, #tpu.memory_space<vmem>>, vector<1x10112x1xf32>
    %get3A_8 = vector.shape_cast %get3A_7 : vector<1x10112x1xf32> to vector<10112x1xf32>
    %add3A = arith.addf %get3A_3, %get3A_8 : vector<10112x1xf32>
    %add3A_9 = arith.constant 1.000000e+00 : f32
    %add3A_10 = vector.broadcast %add3A_9 : f32 to vector<10112x1xf32>
    %add3A_11 = arith.addf %add3A, %add3A_10 : vector<10112x1xf32>
    %rsqrt3A = math.rsqrt %add3A_11 : vector<10112x1xf32>
    %swap3A = arith.constant 0 : index
    %swap3A_12 = arith.constant 0 : index
    %swap3A_13 = vector.load %arg3[%swap3A, %swap3A_12] : memref<10112x1xf32, #tpu.memory_space<vmem>>, vector<10112x1xf32>
    tpu.vector_store %arg3[%swap3A, %swap3A_12], %rsqrt3A {strides = array<i32>} : memref<10112x1xf32, #tpu.memory_space<vmem>>, vector<10112x1xf32>,
    %get3A_14 = arith.constant 0 : index
    %get3A_15 = arith.constant 0 : index
    %get3A_16 = vector.load %arg1[%get3A_14, %get3A_15] : memref<10000x128xf32, #tpu.memory_space<vmem>>, vector<10000x128xf32>
    %get3A_17 = arith.constant 0 : index
    %get3A_18 = arith.constant 0 : index
    %get3A_19 = vector.load %arg2[%get3A_17, %get3A_18] : memref<128x128xf32, #tpu.memory_space<vmem>>, vector<128x128xf32>
    %dot_general3A = arith.constant dense<0.000000e+00> : vector<10000x128xf32>
    %dot_general3A_20 = tpu.matmul %get3A_16, %get3A_19, %dot_general3A {dimension_numbers = #tpu.dot_dimension_numbers<[1], [0], [0], [1], [0, 0, 1, 1], [], []>, transpose_lhs_hint = false} : vector<10000x128xf32>, vector<128x128xf32>, vector<10000x128xf32> -> vector<10000x128xf32>
    %slice3A = vector.extract_strided_slice %rsqrt3A {offsets = [0, 0], sizes = [10000, 1], strides = [1, 1]} : vector<10112x1xf32> to vector<10000x1xf32>
    %mul3A = vector.broadcast %slice3A : vector<10000x1xf32> to vector<10000x128xf32>
    %mul3A_21 = arith.mulf %dot_general3A_20, %mul3A : vector<10000x128xf32>
    %swap3A_22 = arith.constant 0 : index
    %swap3A_23 = arith.constant 0 : index
    %swap3A_24 = vector.load %arg4[%swap3A_22, %swap3A_23] : memref<10112x128xf32, #tpu.memory_space<vmem>>, vector<10000x128xf32>
    tpu.vector_store %arg4[%swap3A_22, %swap3A_23], %mul3A_21 {strides = array<i32>} : memref<10112x128xf32, #tpu.memory_space<vmem>>, vector<10000x128xf32>,
    %broadcast_in_dim3A = arith.constant 0.000000e+00 : f32
    %broadcast_in_dim3A_25 = vector.broadcast %broadcast_in_dim3A : f32 to vector<112x128xf32>
    %swap3A_26 = arith.constant 10000 : index
    %swap3A_27 = arith.constant 0 : index
    %swap3A_28 = vector.load %arg4[%swap3A_26, %swap3A_27] : memref<10112x128xf32, #tpu.memory_space<vmem>>, vector<112x128xf32>
    tpu.vector_store %arg4[%swap3A_26, %swap3A_27], %broadcast_in_dim3A_25 {strides = array<i32>} : memref<10112x128xf32, #tpu.memory_space<vmem>>, vector<112x128xf32>,
    return
  }
}

module attributes {stable_mosaic.version = 14 : i64} {
  func.func @_tc3_body(%arg0: memref<2x10112x128xf32, #tpu.memory_space<vmem>>, %arg1: memref<10112x128xf32, #tpu.memory_space<vmem>>, %arg2: memref<10112x1xf32, #tpu.memory_space<vmem>>, %arg3: memref<128xf32, #tpu.memory_space<vmem>>, %arg4: memref<128xf32, #tpu.memory_space<vmem>>, %arg5: memref<128xf32, #tpu.memory_space<vmem>>, %arg6: memref<10112x128xf32, #tpu.memory_space<vmem>>, %arg7: memref<128x1xf32, #tpu.memory_space<vmem>>, %arg8: memref<1xf32, #tpu.memory_space<vmem>>, %arg9: memref<10000x1xf32, #tpu.memory_space<vmem>>) attributes {dimension_semantics = [], scalar_prefetch = 0 : i64, scratch_operands = 0 : i64, tpu.core_type = #tpu.core_type<tc>} {
    %get3A = arith.constant 0 : index
    %get3A_0 = arith.constant 0 : index
    %get3A_1 = vector.load %arg2[%get3A, %get3A_0] : memref<10112x1xf32, #tpu.memory_space<vmem>>, vector<10112x1xf32>
    %get3A_2 = arith.constant 0 : index
    %get3A_3 = arith.constant 0 : index
    %get3A_4 = arith.constant 0 : index
    %get3A_5 = vector.load %arg0[%get3A_2, %get3A_3, %get3A_4] : memref<2x10112x128xf32, #tpu.memory_space<vmem>>, vector<1x10112x128xf32>
    %get3A_6 = vector.shape_cast %get3A_5 : vector<1x10112x128xf32> to vector<10112x128xf32>
    %get3A_7 = arith.constant 1 : index
    %get3A_8 = arith.constant 0 : index
    %get3A_9 = arith.constant 0 : index
    %get3A_10 = vector.load %arg0[%get3A_7, %get3A_8, %get3A_9] : memref<2x10112x128xf32, #tpu.memory_space<vmem>>, vector<1x10112x128xf32>
    %get3A_11 = vector.shape_cast %get3A_10 : vector<1x10112x128xf32> to vector<10112x128xf32>
    %add3A = arith.addf %get3A_6, %get3A_11 : vector<10112x128xf32>
    %get3A_12 = arith.constant 0 : index
    %get3A_13 = arith.constant 0 : index
    %get3A_14 = vector.load %arg1[%get3A_12, %get3A_13] : memref<10112x128xf32, #tpu.memory_space<vmem>>, vector<10112x128xf32>
    %add3A_15 = arith.addf %add3A, %get3A_14 : vector<10112x128xf32>
    %mul3A = vector.broadcast %get3A_1 : vector<10112x1xf32> to vector<10112x128xf32>
    %mul3A_16 = arith.mulf %mul3A, %add3A_15 : vector<10112x128xf32>
    %get3A_17 = arith.constant 0 : index
    %get3A_18 = vector.load %arg3[%get3A_17] : memref<128xf32, #tpu.memory_space<vmem>>, vector<128xf32>
    %broadcast_in_dim3A = vector.shape_cast %get3A_18 : vector<128xf32> to vector<1x128xf32>
    %add3A_19 = vector.broadcast %broadcast_in_dim3A : vector<1x128xf32> to vector<10112x128xf32>
    %add3A_20 = arith.addf %mul3A_16, %add3A_19 : vector<10112x128xf32>
    %reduce_sum3A = arith.constant dense<0.000000e+00> : vector<10112xf32>
    %reduce_sum3A_21 = vector.multi_reduction <add>, %add3A_20, %reduce_sum3A [1] : vector<10112x128xf32> to vector<10112xf32>
    %broadcast_in_dim3A_22 = vector.shape_cast %reduce_sum3A_21 : vector<10112xf32> to vector<10112x1xf32>
    %div3A = arith.constant 1.280000e+02 : f32
    %div3A_23 = vector.broadcast %div3A : f32 to vector<10112x1xf32>
    %div3A_24 = arith.divf %broadcast_in_dim3A_22, %div3A_23 : vector<10112x1xf32>
    %sub3A = vector.broadcast %div3A_24 : vector<10112x1xf32> to vector<10112x128xf32>
    %sub3A_25 = arith.subf %add3A_20, %sub3A : vector<10112x128xf32>
    %integer_pow3A = arith.mulf %sub3A_25, %sub3A_25 : vector<10112x128xf32>
    %reduce_sum3A_26 = arith.constant dense<0.000000e+00> : vector<10112xf32>
    %reduce_sum3A_27 = vector.multi_reduction <add>, %integer_pow3A, %reduce_sum3A_26 [1] : vector<10112x128xf32> to vector<10112xf32>
    %broadcast_in_dim3A_28 = vector.shape_cast %reduce_sum3A_27 : vector<10112xf32> to vector<10112x1xf32>
    %div3A_29 = arith.constant 1.280000e+02 : f32
    %div3A_30 = vector.broadcast %div3A_29 : f32 to vector<10112x1xf32>
    %div3A_31 = arith.divf %broadcast_in_dim3A_28, %div3A_30 : vector<10112x1xf32>
    %sub3A_32 = vector.broadcast %div3A_24 : vector<10112x1xf32> to vector<10112x128xf32>
    %sub3A_33 = arith.subf %add3A_20, %sub3A_32 : vector<10112x128xf32>
    %add3A_34 = arith.constant 9.99999974E-6 : f32
    %add3A_35 = vector.broadcast %add3A_34 : f32 to vector<10112x1xf32>
    %add3A_36 = arith.addf %div3A_31, %add3A_35 : vector<10112x1xf32>
    %rsqrt3A = math.rsqrt %add3A_36 : vector<10112x1xf32>
    %mul3A_37 = vector.broadcast %rsqrt3A : vector<10112x1xf32> to vector<10112x128xf32>
    %mul3A_38 = arith.mulf %sub3A_33, %mul3A_37 : vector<10112x128xf32>
    %get3A_39 = arith.constant 0 : index
    %get3A_40 = vector.load %arg4[%get3A_39] : memref<128xf32, #tpu.memory_space<vmem>>, vector<128xf32>
    %broadcast_in_dim3A_41 = vector.shape_cast %get3A_40 : vector<128xf32> to vector<1x128xf32>
    %mul3A_42 = vector.broadcast %broadcast_in_dim3A_41 : vector<1x128xf32> to vector<10112x128xf32>
    %mul3A_43 = arith.mulf %mul3A_38, %mul3A_42 : vector<10112x128xf32>
    %get3A_44 = arith.constant 0 : index
    %get3A_45 = vector.load %arg5[%get3A_44] : memref<128xf32, #tpu.memory_space<vmem>>, vector<128xf32>
    %broadcast_in_dim3A_46 = vector.shape_cast %get3A_45 : vector<128xf32> to vector<1x128xf32>
    %add3A_47 = vector.broadcast %broadcast_in_dim3A_46 : vector<1x128xf32> to vector<10112x128xf32>
    %add3A_48 = arith.addf %mul3A_43, %add3A_47 : vector<10112x128xf32>
    %max3A = arith.constant 0.000000e+00 : f32
    %max3A_49 = vector.broadcast %max3A : f32 to vector<10112x128xf32>
    %max3A_50 = arith.maximumf %add3A_48, %max3A_49 : vector<10112x128xf32>
    %get3A_51 = arith.constant 0 : index
    %get3A_52 = arith.constant 0 : index
    %get3A_53 = vector.load %arg6[%get3A_51, %get3A_52] : memref<10112x128xf32, #tpu.memory_space<vmem>>, vector<10112x128xf32>
    %add3A_54 = arith.addf %max3A_50, %get3A_53 : vector<10112x128xf32>
    %get3A_55 = arith.constant 0 : index
    %get3A_56 = arith.constant 0 : index
    %get3A_57 = vector.load %arg7[%get3A_55, %get3A_56] : memref<128x1xf32, #tpu.memory_space<vmem>>, vector<128x1xf32>
    %dot_general3A = arith.constant dense<0.000000e+00> : vector<10112x1xf32>
    %dot_general3A_58 = tpu.matmul %add3A_54, %get3A_57, %dot_general3A {dimension_numbers = #tpu.dot_dimension_numbers<[1], [0], [0], [1], [0, 0, 1, 1], [], []>, transpose_lhs_hint = false} : vector<10112x128xf32>, vector<128x1xf32>, vector<10112x1xf32> -> vector<10112x1xf32>
    %slice3A = vector.extract_strided_slice %dot_general3A_58 {offsets = [0, 0], sizes = [10000, 1], strides = [1, 1]} : vector<10112x1xf32> to vector<10000x1xf32>
    %get3A_59 = arith.constant 0 : index
    %get3A_60 = vector.load %arg8[%get3A_59] : memref<1xf32, #tpu.memory_space<vmem>>, vector<1xf32>
    %broadcast_in_dim3A_61 = vector.shape_cast %get3A_60 : vector<1xf32> to vector<1x1xf32>
    %add3A_62 = vector.broadcast %broadcast_in_dim3A_61 : vector<1x1xf32> to vector<10000x1xf32>
    %add3A_63 = arith.addf %slice3A, %add3A_62 : vector<10000x1xf32>
    %swap3A = arith.constant 0 : index
    %swap3A_64 = arith.constant 0 : index
    %swap3A_65 = vector.load %arg9[%swap3A, %swap3A_64] : memref<10000x1xf32, #tpu.memory_space<vmem>>, vector<10000x1xf32>
    tpu.vector_store %arg9[%swap3A, %swap3A_64], %add3A_63 {strides = array<i32>} : memref<10000x1xf32, #tpu.memory_space<vmem>>, vector<10000x1xf32>,
    return
  }
}

</mosaic_0001>

<sc_bundles>
// kernel: kernel.11.cloned.1.call-start
scs
__scs_entry_jumppad:
0x0: {  	(pc) =	sbr.rel $0x88, $3  }
0x1: {  	(tag) =	ssettag $0x0;
	lr =	simm.s32 $0x1  }
0x2: {  	[smem:$0x3F95] =	sst lr;
	_ =	strace $0xD0000000  }
0x3: {  	_ = 	snop  }
0x4: {  	_ = 	snop  }
0x5: {  	_ = 	snop  }
0x6: {  	_ = 	snop  }
0x7: {  	_ = 	snop  }
__scs_overlays_trampoline_lowered:
0x8: {  	[smem:$0x3FA4] =	sst s0  }
0x9: {  	[smem:$0x3FA5] =	sst s1  }
0xa: {  	[smem:$0x3FA6] =	sst s2  }
0xb: {  	[smem:$0x3FA7] =	sst s3  }
0xc: {  	[smem:$0x3FA8] =	sst s4  }
0xd: {  	[smem:$0x3FA9] =	sst s5  }
0xe: {  	[smem:$0x3FAA] =	sst s6  }
0xf: {  	[smem:$0x3FAB] =	sst s7  }
0x10: {  	[smem:$0x3FAC] =	sst s8  }
0x11: {  	[smem:$0x3FAD] =	sst s9;
	s0 =	simm.s32 @!p0 $0x0  }
0x12: {  	s1 =	sld [smem:$0x3F93];
	s0 =	simm.s32 @p0 $0x1  }
0x13: {  	[smem:$0x3FAE] =	sst s0;
	s0 =	simm.s32 @!p1 $0x0  }
0x14: {  	s2 =	sld [smem:$0x3F92];
	s0 =	simm.s32 @p1 $0x1  }
0x15: {  	[smem:$0x3FAF] =	sst s0;
	s0 =	simm.s32 @!p2 $0x0  }
0x16: {  	s3 =	sld [smem:$0x3FDB];
	s0 =	simm.s32 @p2 $0x1  }
0x17: {  	s4 =	simm.s32 $0x1BF5;
	[smem:$0x3FB1] =	sst s0  }
0x18: {  	s0 =	sld [smem:$0x3F94];
	_ =	swait.ge [sflag:s4], $0x0  }
0x19: {  	s7 =	sld [smem:$0x3F95]  }
0x1a: {  	s8 =	sadd.s32 $0xFFFFE003, lr  }
0x1b: {  	s9 =	sadd.s32 $0xFFFFFEF7, lr;
	s5 =	simm.s32 $0xFFFFFFFF;
	p2 =	slt.u32 s8, $0xFFFFF086  }
0x1c: {  	p1 =	slt.u32 s9, $0xF7A;
	s5 =	simm.s32 @!p2 $0x0  }
0x1d: {  	s5 =	simm.s32 @p1 $0x1;
	p0 =	seq.s32 s7, s2  }
0x1e: {  	s7 =	smul.u32 @!p0 $0xF7A, s2;
	p2 =	seq.s32 @!p0 s5, $0x0  }
0x1f: {  	s9 =	smul.u32 $0xF7A, s1;
	s8 =	simm.s32 @!p0 $0x1BF5;
	p2 =	por !p2, p0  }
0x20: {  	[sflag:s8] =	ssyncset.s32 @!p0 $0xFFFFF086;
	s6 =	sadd.s32 @!p0 s3, s7;
	s7 =	simm.s32 @!p0 $0x108  }
0x21: {  	s3 =	sadd.s32 s3, s9;
	s6 =	sadd.s32 @!p0 $0x88, s6;
	s7 =	simm.s32 @p2 $0x1082  }
0x22: {  	[simem:s7], [sflag:s8] =	dma.local @!p0 [hbm:s6], $0xF7A  }
0x23: {  	s9 =	sor.u32 $0xD0000000, s2;
	s6 =	simm.s32 $0x108;
	_ =	swait.ge @!p0 [sflag:s8], $0x0  }
0x24: {  	s3 =	sadd.s32 $0x88, s3;
	s6 =	simm.s32 @!p1 $0x1082;
	[sflag:s4] =	ssyncset.s32 $0xFFFFF086  }
0x25: {  	[simem:s6], [sflag:s4] =	dma.local [hbm:s3], $0xF7A  }
0x26: {  	[smem:$0x3F95] =	sst s1;
	(tag) =	ssettag s2;
	_ =	strace s9  }
0x27: {  	s1 =	sld [smem:$0x3FA5]  }
0x28: {  	s2 =	sld [smem:$0x3FA6]  }
0x29: {  	s4 =	sld [smem:$0x3FA8]  }
0x2a: {  	p0 =	seq.s32 s5, $0x0;
	s5 =	sld [smem:$0x3FA9]  }
0x2b: {  	s6 =	sld [smem:$0x3FAA]  }
0x2c: {  	s7 =	sld [smem:$0x3FAB]  }
0x2d: {  	s3 =	simm.s32 $0x108;
	s8 =	sld [smem:$0x3FAC]  }
0x2e: {  	s3 =	simm.s32 @!p0 $0x1082;
	s9 =	sld [smem:$0x3FAD]  }
0x2f: {  	lr =	sadd.s32 s0, s3;
	s0 =	sld [smem:$0x3FA4]  }
0x30: {  	s3 =	sld [smem:$0x3FA7]  }
0x31: {  	[smem:$0x3FB0] =	sst s10  }
0x32: {  	s10 =	sld [smem:$0x3FAE];
	_ =	sdelay $0x3  }
0x33: {  	p0 =	seq.s32 s10, $0x1;
	s10 =	sld [smem:$0x3FB0];
	_ =	sdelay $0x3  }
0x34: {  	[smem:$0x3FB0] =	sst s10  }
0x35: {  	s10 =	sld [smem:$0x3FAF];
	_ =	sdelay $0x3  }
0x36: {  	p1 =	seq.s32 s10, $0x1;
	s10 =	sld [smem:$0x3FB0];
	_ =	sdelay $0x3  }
0x37: {  	[smem:$0x3FB0] =	sst s10  }
0x38: {  	s10 =	sld [smem:$0x3FB1]  }
0x39: {  	_ = 	snop;
	(pc) =	sbr.ind lr, $3  }
0x3a: {  	_ = 	snop  }
0x3b: {  	_ = 	snop  }
0x3c: {  	p2 =	seq.s32 s10, $0x1;
	s10 =	sld [smem:$0x3FB0]  }
0x3d: {  	_ =	shalt  }
0x3e: {  	_ =	shalt  }
0x3f: {  	_ =	shalt  }
0x40: {  	_ =	shalt  }
0x41: {  	_ =	shalt  }
0x42: {  	_ =	shalt  }
0x43: {  	_ =	shalt  }
0x44: {  	_ =	shalt  }
0x45: {  	_ =	shalt  }
0x46: {  	_ =	shalt  }
0x47: {  	_ =	shalt  }
0x48: {  	_ =	shalt  }
0x49: {  	_ =	shalt  }
0x4a: {  	_ =	shalt  }
0x4b: {  	_ =	shalt  }
0x4c: {  	_ =	shalt  }
0x4d: {  	_ =	shalt  }
0x4e: {  	_ =	shalt  }
0x4f: {  	_ =	shalt  }
0x50: {  	_ =	shalt  }
0x51: {  	_ =	shalt  }
0x52: {  	_ =	shalt  }
0x53: {  	_ =	shalt  }
0x54: {  	_ =	shalt  }
0x55: {  	_ =	shalt  }
0x56: {  	_ =	shalt  }
0x57: {  	_ =	shalt  }
0x58: {  	_ =	shalt  }
0x59: {  	_ =	shalt  }
0x5a: {  	_ =	shalt  }
0x5b: {  	_ =	shalt  }
0x5c: {  	_ =	shalt  }
0x5d: {  	_ =	shalt  }
0x5e: {  	_ =	shalt  }
0x5f: {  	_ =	shalt  }
0x60: {  	_ =	shalt  }
0x61: {  	_ =	shalt  }
0x62: {  	_ =	shalt  }
0x63: {  	_ =	shalt  }
0x64: {  	_ =	shalt  }
0x65: {  	_ =	shalt  }
0x66: {  	_ =	shalt  }
0x67: {  	_ =	shalt  }
0x68: {  	_ =	shalt  }
0x69: {  	_ =	shalt  }
0x6a: {  	_ =	shalt  }
0x6b: {  	_ =	shalt  }
0x6c: {  	_ =	shalt  }
0x6d: {  	_ =	shalt  }
0x6e: {  	_ =	shalt  }
0x6f: {  	_ =	shalt  }
0x70: {  	_ =	shalt  }
0x71: {  	_ =	shalt  }
0x72: {  	_ =	shalt  }
0x73: {  	_ =	shalt  }
0x74: {  	_ =	shalt  }
0x75: {  	_ =	shalt  }
0x76: {  	_ =	shalt  }
0x77: {  	_ =	shalt  }
0x78: {  	_ =	shalt  }
0x79: {  	_ =	shalt  }
0x7a: {  	_ =	shalt  }
0x7b: {  	_ =	shalt  }
0x7c: {  	_ =	shalt  }
0x7d: {  	_ =	shalt  }
0x7e: {  	_ =	shalt  }
0x7f: {  	_ =	shalt  }
0x80: {  	_ =	shalt  }
0x81: {  	_ =	shalt  }
0x82: {  	_ =	shalt  }
0x83: {  	_ =	shalt  }
0x84: {  	_ =	shalt  }
0x85: {  	_ =	shalt  }
0x86: {  	_ =	shalt  }
0x87: {  	_ =	shalt  }
.Lfunc_end0:
.L_simem_size_0:
called_computation.1_lowered:
.L_overlay_start_0:
0x88: {  	s2 =	sld [smem:$0x3FD9]  }
0x89: {  	s3 =	sld [smem:$0x3FFE];
	_ =	sdelay $0x1  }
0x8a: {  	s1 =	srdreg.scid  }
0x8b: {  	s0 =	sand.u32 $0x1, s1  }
0x8c: {  	s16 =	sshll.u32 s0, $0xA;
	s2 =	sadd.s32 s3, s2  }
0x8d: {  	s2 =	sadd.s32 s2, s16  }
0x8e: {  	[smem:$0x3FBC] =	sst s2  }
0x8f: {  	_ = 	snop  }
0x90: {  	(tm) =	ssettm $0x1  }
0x91: {  	s17 =	sld [smem:$0x3FFB];
	_ =	sdelay $0x3  }
0x92: {  	_ =	strace s17  }
0x93: {  	s2 =	sld [smem:$0x3FFC];
	_ =	sdelay $0x3  }
0x94: {  	_ =	strace s2  }
0x95: {  	s2 =	sld [smem:$0x3FFD];
	_ =	sdelay $0x3  }
0x96: {  	_ =	strace s2  }
0x97: {  	_ =	strace $0x8FFFFFFF  }
0x98: {  	s18 =	sld [smem:$0x3FDB];
	_ =	sdelay $0x1  }
0x99: {  	s19 =	simm.s32 $_scs_section_size  }
0x9a: {  	s4 =	simm.s32 $_size__tile_overlayer_lowered;
	s5 =	simm.s32 $_tile_overlayer_lowered  }
0x9b: {  	s22 =	simm.s32 $0x1BFF;
	s21 =	sshll.u32 s5, $0x1;
	s2 =	sadd.s32 s19, s18  }
0x9c: {  	s6 =	simm.s32 $0x0;
	s20 =	sshll.u32 s4, $0x1;
	s4 =	sadd.s32 s21, s2  }
0x9d: {  	[timem:s6], [sflag:s22] =	dma.local [hbm:s4], s20  }
0x9e: {  	_ =	swait.ge [sflag:s22], s20  }
0x9f: {  	s3 =	ssub.s32 $0x0, s20;
	[sflag:s22] =	ssyncset.done $0x0  }
0xa0: {  	[sflag:s22] =	ssyncadd.s32 s3;
	_ =	sdelay $0x1  }
0xa1: {  	s23 =	simm.s32 $0x1B8B  }
0xa2: {  	_ =	swait.ge [sflag:s23], $0x1  }
0xa3: {  	[sflag:s23] =	ssyncset.done $0x0  }
0xa4: {  	s25 =	simm.s32 $0x1B8E;
	s24 =	sld [smem:$0x3FFE];
	[sflag:s23] =	ssyncadd.s32 $0xFFFFFFFF  }
0xa5: {  	s26 =	simm.s32 $execute0_lowered;
	[smem:$0x3FD2] =	sst s25  }
0xa6: {  	s4 =	sshll.u32 s26, $0x1;
	_ =	strace $0x80000049;
	[dreg:$0x1] =	wrdreg $0xFFFFFFFF  }
0xa7: {  	s28 =	simm.s32 $_size_execute0_lowered;
	s2 =	sadd.s32 s2, s4;
	[dreg:$0x0] =	wrdreg $0x0  }
0xa8: {  	s4 =	sshll.u32 s28, $0x1;
	[dreg:$0x2] =	wrdreg s2  }
0xa9: {  	[dreg:$0x3] =	wrdreg s4  }
0xaa: {  	[dreg:$0x4] =	wrdreg $0xC0  }
0xab: {  	_ =	task [dreg:s6], $0x5FFFF  }
0xac: {  	[dreg:$0x1] =	wrdreg $0xFFFFFFFF  }
0xad: {  	[dreg:$0x0] =	wrdreg $0x60  }
0xae: {  	[dreg:$0x2] =	wrdreg s24  }
0xaf: {  	[dreg:$0x3] =	wrdreg $0x0  }
0xb0: {  	[dreg:$0x4] =	wrdreg $0x9  }
0xb1: {  	_ =	task.clear_ibuf [dreg:s6], $0x5FFFF;
	_ =	strace $0x90000049  }
0xb2: {  	s29 =	simm.s32 $0x9;
	_ =	strace $0x8000004B  }
0xb3: {  	_ =	swait.ge [sflag:s29], $0x1  }
0xb4: {  	[sflag:s29] =	ssyncadd.s32 $0xFFFFFFFF  }
0xb5: {  	_ =	strace $0x9000004B  }
0xb6: {  	_ =	sfence  }
0xb7: {  	s30 =	sld [smem:$0x0];
	_ =	sdelay $0x2  }
0xb8: {  	s31 =	sshll.u32 s1, $0xD;
	s1 =	sshrl.u32 s1, $0x2  }
0xb9: {  	s3 =	sand.u32 $0x4000, s31;
	s1 =	sadd.s32 s1, s30  }
0xba: {  	s0 =	sor.u32 s3, s0;
	s1 =	sshll.u32 s1, $0x11  }
0xbb: {  	s0 =	sor.u32 s1, s0  }
0xbc: {  	s0 =	sadd.s32 $0x8F2B, s0  }
0xbd: {  	[sflag:s0] =	ssyncadd.remote.s32 $0x1  }
0xbe: {  	_ =	sfence.sel $0xFFFF  }
0xbf: {  	[dreg:$0x0] =	wrdreg $0xFFFFFFFF;
	(pc) =	sbr.abs _section_cstart, $3  }
0xc0: {  	[dreg:$0x1] =	wrdreg $0xFFFFFFFF  }
0xc1: {  	_ =	task.clear_ibuf [dreg:s6], $0x2FFFF;
	_ =	strace $0x9FFFFFFF  }
0xc2: {  	(tm) =	ssettm $0x7FFFFFFF  }
0xc3: {  	_ =	shalt  }
tec
execute0_lowered:
.L_overlay_start_1:
0x0: {  	(tag) =	ssettag $0x1  }
0x1: {  	s5 =	rddreg [dreg:$0x0]  }
0x2: {  	s2 =	rddreg [dreg:$0x1]  }
0x3: {  	s0 =	rddreg [dreg:$0x2];
	s4 =	srdreg.scid  }
0x4: {  	s1 =	stileid.u32;
	s3 =	simm.s32 $0x0;
	s15 =	simm.s32 $0x2  }
0x5: {  	s16 =	simm.s32 $0x14000;
	s17 =	simm.s32 $0x16800;
	s7 =	smul.u32 $0x2800, s1  }
0x6: {  	s18 =	simm.s32 $0x80;
	s19 =	simm.s32 $0x1;
	s10 =	smul.u32 $0x13C00, s1  }
0x7: {  	s21 =	simm.s32 $0x0;
	s6 =	sand.u32 $0x1, s4;
	s28 =	smul.u32 $0x50000, s1  }
0x8: {  	[smem:$0x7FF] =	sst s3;
	s4 =	sadd.s32 $0x17800, s5;
	s14 =	smul.u32 $0x4F000, s1  }
0x9: {  	s8 =	smul.u32 $0x13C000, s6;
	p0 =	seq.s32 s6, $0x0;
	s6 =	ssub.s32 $0x2, s6  }
0xa: {  	_ =	strace $0x8000004A;
	s9 =	sadd.s32 $0x28000, s7;
	s30 =	sshrl.u32 s6, $0x1  }
0xb: {  	s31 =	sshrl.u32 s28, $0x2;
	s14 =	sshrl.u32 s14, $0x2;
	s9 =	smov.u32 @p0 s7  }
0xc: {  	s8 =	sadd.s32 s10, s8;
	s13 =	ssub.s32 s6, s30;
	s20 =	sadd.s32 s14, s2  }
0xd: {  	s14 =	simm.s32 $0x19000;
	s7 =	sshrl.u32 s9, $0x3;
	s29 =	sshrl.u32 s8, $0x3  }
0xe: {  	s11 =	sadd.s32 s7, s5;
	s12 =	sadd.s32 s29, s5;
	s5 =	sadd.s32 s31, s2  }
0xf: {  	s13 =	smax.u32 s13, $0x1;
	s20 =	sshrl.u32 s20, $0x3;
	s6 =	sadd.s32 $0x4000, s5  }
0x10: {  	s7 =	sadd.s32 $0x8000, s5;
	s8 =	sadd.s32 $0xC000, s5;
	s9 =	sadd.s32 $0x10000, s5  }
0x11: {  	v0 =	vimm.f32 $0.0e+00;
	s10 =	sadd.s32 $0xD800, s11;
	s11 =	sadd.s32 $0x3800, s11;
	s12 =	sadd.s32 $0x3F000, s12  }
.LBB2_1:
0x12: {  	s22 =	sand.u32 $0xFE00, s3  }
0x13: {  	s23 =	sand.u32 $0x40, s3;
	s24 =	sshrl.u32 s22, $0x2  }
0x14: {  	s22 =	simm.s32 $0x0;
	s23 =	sor.u32 s23, s24  }
0x15: {  	s24 =	simm.s32 $0x0;
	s25 =	sadd.s32 $0x19000, s23;
	[tilespmem:s23+$0x19000] =	vst v0;
	s23 =	simm.s32 $0x0  }
.LBB2_2:
0x16: {  	s22 =	sadd.s32 $0x4, s22  }
0x17: {  	[tilespmem:s25+$0x30] =	vst v0;
	s23 =	sadd.s32 $0x40, s23;
	s24 =	sadd.s32 $0x100, s24;
	p0 =	slt.u32 s22, $0x3FC  }
.Ltmp0:
0x18: {  	[tilespmem:s25+$0x10] =	vst v0;
	(pc) =	sbr.rel @p0 .LBB2_2-.Ltmp0, $4  }
0x19: {  	s26 =	sand.u32 $0xFE00, s24;
	[tilespmem:s25+$0x20] =	vst v0  }
0x1a: {  	s25 =	sand.u32 $0x40, s23;
	s26 =	sshrl.u32 s26, $0x2  }
0x1b: {  	s26 =	sor.u32 s25, s26  }
0x1c: {  	s25 =	sadd.s32 $0x19000, s26;
	[tilespmem:s26+$0x19000] =	vst v0  }
0x1d: {  	[tilespmem:s25+$0x30] =	vst v0  }
0x1e: {  	[tilespmem:s25+$0x10] =	vst v0  }
0x1f: {  	[tilespmem:s25+$0x20] =	vst v0  }
0x20: {  	[spmem:s5] =	stream.linear.scatter [tilespmem:s14], [sflag:$0x2], $0x4000, $0x38;
	[tilespmem:$0x1D000] =	vst v63  }
0x21: {  	_ =	swait.ge [sflag:s15], $0x4000  }
0x22: {  	[sflag:s15] =	ssyncset.done $0x0  }
0x23: {  	[sflag:s15] =	ssyncadd.s32 $0xFFFFC000  }
0x24: {  	[spmem:s6] =	stream.linear.scatter [tilespmem:s14], [sflag:$0x2], $0x4000, $0x38;
	[tilespmem:$0x1D000] =	vst v63  }
0x25: {  	_ =	swait.ge [sflag:s15], $0x4000  }
0x26: {  	[sflag:s15] =	ssyncset.done $0x0  }
0x27: {  	[sflag:s15] =	ssyncadd.s32 $0xFFFFC000  }
0x28: {  	[spmem:s7] =	stream.linear.scatter [tilespmem:s14], [sflag:$0x2], $0x4000, $0x38;
	[tilespmem:$0x1D000] =	vst v63  }
0x29: {  	_ =	swait.ge [sflag:s15], $0x4000  }
0x2a: {  	[sflag:s15] =	ssyncset.done $0x0  }
0x2b: {  	[sflag:s15] =	ssyncadd.s32 $0xFFFFC000  }
0x2c: {  	[spmem:s8] =	stream.linear.scatter [tilespmem:s14], [sflag:$0x2], $0x4000, $0x38;
	[tilespmem:$0x1D000] =	vst v63  }
0x2d: {  	_ =	swait.ge [sflag:s15], $0x4000  }
0x2e: {  	[sflag:s15] =	ssyncset.done $0x0  }
0x2f: {  	[sflag:s15] =	ssyncadd.s32 $0xFFFFC000  }
0x30: {  	[spmem:s9] =	stream.linear.scatter [tilespmem:s14], [sflag:$0x2], $0x4000, $0x38;
	[tilespmem:$0x1D000] =	vst v63  }
0x31: {  	_ =	swait.ge [sflag:s15], $0x4000  }
0x32: {  	[sflag:s15] =	ssyncset.done $0x0  }
0x33: {  	s22 =	simm.s32 $0x0;
	[sflag:s15] =	ssyncadd.s32 $0xFFFFC000  }
0x34: {  	[tilespmem:s16], [sflag:$0x2] =	stream.linear.gather [hbm4b:s10+s22], $0x2800, $0x38;
	[tilespmem:$0x1D000] =	vst v63  }
0x35: {  	_ =	swait.ge [sflag:s15], $0x2800  }
0x36: {  	[sflag:s15] =	ssyncset.done $0x0  }
0x37: {  	[sflag:s15] =	ssyncadd.s32 $0xFFFFD800  }
0x38: {  	[tilespmem:s17], [sflag:$0x2] =	stream.linear.gather [hbm4b:s11+s22], $0x2800, $0x38;
	[tilespmem:$0x1D000] =	vst v63  }
0x39: {  	_ =	swait.ge [sflag:s15], $0x2800  }
0x3a: {  	[sflag:s15] =	ssyncset.done $0x0  }
0x3b: {  	[sflag:s15] =	ssyncadd.s32 $0xFFFFD800  }
0x3c: {  	s30 =	simm.s32 $0x14000;
	[bflag:$0x0] =	sbarrier.arrive $0xFFFF  }
0x3d: {  	[tilespmem:s14], [sflag:$0x1] =	stream.indirect.gather [hbm4b:s4+s18], $0x80, s30, s18, $0xb8;
	[tilespmem:$0x1D000] =	vst v63  }
0x3e: {  	_ =	swait.ge [sflag:s19], $0x4000  }
0x3f: {  	[sflag:s19] =	ssyncset.done $0x0  }
0x40: {  	s31 =	simm.s32 $0x16800;
	[sflag:s19] =	ssyncadd.s32 $0xFFFFC000  }
0x41: {  	[spmem:s2] =	stream.indirect.scatter.add.f32 [tilespmem:s14], [sflag:$0x2], $0x80, s31, s18, $0xb8;
	[tilespmem:$0x1D000] =	vst v63  }
0x42: {  	_ =	swait.ge [sflag:s15], $0x4000  }
0x43: {  	s23 =	simm.s32 $0x400;
	s22 =	simm.s32 $0x80;
	[sflag:s15] =	ssyncset.done $0x0  }
.LBB2_4:
0x44: {  	s24 =	sadd.s32 $0x14000, s22  }
0x45: {  	[sflag:s15] =	ssyncadd.s32 $0xFFFFC000;
	s25 =	smov.u32 s23;
	s26 =	sadd.s32 $0x200, s23  }
0x46: {  	[tilespmem:s14], [sflag:$0x1] =	stream.indirect.gather [hbm4b:s4+s18], $0x80, s24, s18, $0xb8;
	[tilespmem:$0x1D000] =	vst v63  }
0x47: {  	p0 =	sne.s32 s23, $0x9E00;
	_ =	swait.ge [sflag:s19], $0x4000  }
.Ltmp1:
0x48: {  	[sflag:s19] =	ssyncset.done $0x0;
	(pc) =	sbr.rel @p0 .LBB2_4-.Ltmp1, $4  }
0x49: {  	s22 =	sadd.s32 $0x16800, s22;
	[sflag:s19] =	ssyncadd.s32 $0xFFFFC000  }
0x4a: {  	[spmem:s2] =	stream.indirect.scatter.add.f32 [tilespmem:s14], [sflag:$0x2], $0x80, s22, s18, $0xb8;
	[tilespmem:$0x1D000] =	vst v63  }
0x4b: {  	_ =	swait.ge [sflag:s15], $0x4000  }
0x4c: {  	s23 =	smov.u32 s26;
	s22 =	sshra.s32 s25, $0x2;
	[sflag:s15] =	ssyncset.done $0x0  }
0x4d: {  	s23 =	sadd.s32 $0x14000, s22;
	[sflag:s15] =	ssyncadd.s32 $0xFFFFC000  }
0x4e: {  	[tilespmem:s14], [sflag:$0x1] =	stream.indirect.gather [hbm4b:s4+s18], $0x80, s23, s18, $0xb8;
	[tilespmem:$0x1D000] =	vst v63  }
0x4f: {  	_ =	swait.ge [sflag:s19], $0x4000  }
0x50: {  	[sflag:s19] =	ssyncset.done $0x0  }
0x51: {  	s30 =	sadd.s32 $0x16800, s22;
	[sflag:s19] =	ssyncadd.s32 $0xFFFFC000  }
0x52: {  	[spmem:s2] =	stream.indirect.scatter.add.f32 [tilespmem:s14], [sflag:$0x2], $0x80, s30, s18, $0xb8;
	[tilespmem:$0x1D000] =	vst v63  }
0x53: {  	_ =	swait.ge [sflag:s15], $0x4000  }
0x54: {  	s21 =	sadd.s32 $0x1, s21;
	[sflag:s15] =	ssyncset.done $0x0  }
0x55: {  	s31 =	sshll.u32 s1, $0x6;
	p0 =	sne.s32 s21, s13;
	[sflag:s15] =	ssyncadd.s32 $0xFFFFC000  }
.Ltmp2:
0x56: {  	s22 =	sor.u32 $0x1C02, s31;
	[bflag:$0x0] =	sbarrier.arrive $0xFFFF;
	(pc) =	sbr.rel @p0 .LBB2_1-.Ltmp2, $4  }
0x57: {  	[hbm:s12], [sflag:s22] =	dma.local [spmem:s20], $0x2780  }
0x58: {  	_ =	swait.ge [sflag:s15], $0x2780  }
0x59: {  	[sflag:s15] =	ssyncset.done $0x0  }
0x5a: {  	[sflag:s15] =	ssyncadd.s32 $0xFFFFD880  }
0x5b: {  	_ =	sfence.sel $0x180000  }
0x5c: {  	[bflag:$0x0] =	sbarrier.arrive $0xFFFF  }
0x5d: {  	p0 =	sne.s32 s1, $0x0;
	_ =	strace $0x9000004A  }
0x5e: {  	s0 =	sadd.s32 @!p0 $0x100000, s0;
	[bflag:$0x2] =	sbarrier.arrive $0xFFFF  }
0x5f: {  	[sflag:s0] =	ssyncadd.tile.s32 @!p0 $0x1;
	_ =	shalt  }
.Lfunc_end2:
_tile_overlayer_lowered:
.L_overlay_start_2:
0x60: {  	(tag) =	ssettag $0x2  }
0x61: {  	s0 =	rddreg [dreg:$0x0];
	s2 =	stileid.u32  }
0x62: {  	s1 =	rddreg [dreg:$0x1];
	p0 =	sne.s32 s2, $0x0  }
0x63: {  	s3 =	rddreg [dreg:$0x2];
	[bflag:$0x3] =	sbarrier.arrive $0xFFFF;
	s2 =	simm.s32 @!p0 $0x1C02  }
0x64: {  	[timem:s3], [sflag:s2] =	dma.local @!p0 [hbm:s0], s1  }
0x65: {  	s0 =	simm.s32 @!p0 $0x2  }
0x66: {  	_ =	swait.ge @!p0 [sflag:s0], s1  }
0x67: {  	s1 =	ssub.s32 @!p0 $0x0, s1;
	[sflag:s0] =	ssyncset.done @!p0 $0x0  }
0x68: {  	[sflag:s0] =	ssyncadd.s32 @!p0 s1  }
0x69: {  	[bflag:$0x3] =	sbarrier.arrive $0xFFFF  }
0x6a: {  	_ =	shalt  }

// kernel: kernel.14.cloned.1.call-start
scs
__scs_entry_jumppad:
0x0: {  	(pc) =	sbr.rel $0x88, $3  }
0x1: {  	(tag) =	ssettag $0x0;
	lr =	simm.s32 $0x1  }
0x2: {  	[smem:$0x3F95] =	sst lr;
	_ =	strace $0xD0000000  }
0x3: {  	_ = 	snop  }
0x4: {  	_ = 	snop  }
0x5: {  	_ = 	snop  }
0x6: {  	_ = 	snop  }
0x7: {  	_ = 	snop  }
__scs_overlays_trampoline_lowered:
0x8: {  	[smem:$0x3FA4] =	sst s0  }
0x9: {  	[smem:$0x3FA5] =	sst s1  }
0xa: {  	[smem:$0x3FA6] =	sst s2  }
0xb: {  	[smem:$0x3FA7] =	sst s3  }
0xc: {  	[smem:$0x3FA8] =	sst s4  }
0xd: {  	[smem:$0x3FA9] =	sst s5  }
0xe: {  	[smem:$0x3FAA] =	sst s6  }
0xf: {  	[smem:$0x3FAB] =	sst s7  }
0x10: {  	[smem:$0x3FAC] =	sst s8  }
0x11: {  	[smem:$0x3FAD] =	sst s9;
	s0 =	simm.s32 @!p0 $0x0  }
0x12: {  	s1 =	sld [smem:$0x3F93];
	s0 =	simm.s32 @p0 $0x1  }
0x13: {  	[smem:$0x3FAE] =	sst s0;
	s0 =	simm.s32 @!p1 $0x0  }
0x14: {  	s2 =	sld [smem:$0x3F92];
	s0 =	simm.s32 @p1 $0x1  }
0x15: {  	[smem:$0x3FAF] =	sst s0;
	s0 =	simm.s32 @!p2 $0x0  }
0x16: {  	s3 =	sld [smem:$0x3FDB];
	s0 =	simm.s32 @p2 $0x1  }
0x17: {  	s4 =	simm.s32 $0x1BF5;
	[smem:$0x3FB1] =	sst s0  }
0x18: {  	s0 =	sld [smem:$0x3F94];
	_ =	swait.ge [sflag:s4], $0x0  }
0x19: {  	s7 =	sld [smem:$0x3F95]  }
0x1a: {  	s8 =	sadd.s32 $0xFFFFE003, lr  }
0x1b: {  	s9 =	sadd.s32 $0xFFFFFEF7, lr;
	s5 =	simm.s32 $0xFFFFFFFF;
	p2 =	slt.u32 s8, $0xFFFFF086  }
0x1c: {  	p1 =	slt.u32 s9, $0xF7A;
	s5 =	simm.s32 @!p2 $0x0  }
0x1d: {  	s5 =	simm.s32 @p1 $0x1;
	p0 =	seq.s32 s7, s2  }
0x1e: {  	s7 =	smul.u32 @!p0 $0xF7A, s2;
	p2 =	seq.s32 @!p0 s5, $0x0  }
0x1f: {  	s9 =	smul.u32 $0xF7A, s1;
	s8 =	simm.s32 @!p0 $0x1BF5;
	p2 =	por !p2, p0  }
0x20: {  	[sflag:s8] =	ssyncset.s32 @!p0 $0xFFFFF086;
	s6 =	sadd.s32 @!p0 s3, s7;
	s7 =	simm.s32 @!p0 $0x108  }
0x21: {  	s3 =	sadd.s32 s3, s9;
	s6 =	sadd.s32 @!p0 $0x88, s6;
	s7 =	simm.s32 @p2 $0x1082  }
0x22: {  	[simem:s7], [sflag:s8] =	dma.local @!p0 [hbm:s6], $0xF7A  }
0x23: {  	s9 =	sor.u32 $0xD0000000, s2;
	s6 =	simm.s32 $0x108;
	_ =	swait.ge @!p0 [sflag:s8], $0x0  }
0x24: {  	s3 =	sadd.s32 $0x88, s3;
	s6 =	simm.s32 @!p1 $0x1082;
	[sflag:s4] =	ssyncset.s32 $0xFFFFF086  }
0x25: {  	[simem:s6], [sflag:s4] =	dma.local [hbm:s3], $0xF7A  }
0x26: {  	[smem:$0x3F95] =	sst s1;
	(tag) =	ssettag s2;
	_ =	strace s9  }
0x27: {  	s1 =	sld [smem:$0x3FA5]  }
0x28: {  	s2 =	sld [smem:$0x3FA6]  }
0x29: {  	s4 =	sld [smem:$0x3FA8]  }
0x2a: {  	p0 =	seq.s32 s5, $0x0;
	s5 =	sld [smem:$0x3FA9]  }
0x2b: {  	s6 =	sld [smem:$0x3FAA]  }
0x2c: {  	s7 =	sld [smem:$0x3FAB]  }
0x2d: {  	s3 =	simm.s32 $0x108;
	s8 =	sld [smem:$0x3FAC]  }
0x2e: {  	s3 =	simm.s32 @!p0 $0x1082;
	s9 =	sld [smem:$0x3FAD]  }
0x2f: {  	lr =	sadd.s32 s0, s3;
	s0 =	sld [smem:$0x3FA4]  }
0x30: {  	s3 =	sld [smem:$0x3FA7]  }
0x31: {  	[smem:$0x3FB0] =	sst s10  }
0x32: {  	s10 =	sld [smem:$0x3FAE];
	_ =	sdelay $0x3  }
0x33: {  	p0 =	seq.s32 s10, $0x1;
	s10 =	sld [smem:$0x3FB0];
	_ =	sdelay $0x3  }
0x34: {  	[smem:$0x3FB0] =	sst s10  }
0x35: {  	s10 =	sld [smem:$0x3FAF];
	_ =	sdelay $0x3  }
0x36: {  	p1 =	seq.s32 s10, $0x1;
	s10 =	sld [smem:$0x3FB0];
	_ =	sdelay $0x3  }
0x37: {  	[smem:$0x3FB0] =	sst s10  }
0x38: {  	s10 =	sld [smem:$0x3FB1]  }
0x39: {  	_ = 	snop;
	(pc) =	sbr.ind lr, $3  }
0x3a: {  	_ = 	snop  }
0x3b: {  	_ = 	snop  }
0x3c: {  	p2 =	seq.s32 s10, $0x1;
	s10 =	sld [smem:$0x3FB0]  }
0x3d: {  	_ =	shalt  }
0x3e: {  	_ =	shalt  }
0x3f: {  	_ =	shalt  }
0x40: {  	_ =	shalt  }
0x41: {  	_ =	shalt  }
0x42: {  	_ =	shalt  }
0x43: {  	_ =	shalt  }
0x44: {  	_ =	shalt  }
0x45: {  	_ =	shalt  }
0x46: {  	_ =	shalt  }
0x47: {  	_ =	shalt  }
0x48: {  	_ =	shalt  }
0x49: {  	_ =	shalt  }
0x4a: {  	_ =	shalt  }
0x4b: {  	_ =	shalt  }
0x4c: {  	_ =	shalt  }
0x4d: {  	_ =	shalt  }
0x4e: {  	_ =	shalt  }
0x4f: {  	_ =	shalt  }
0x50: {  	_ =	shalt  }
0x51: {  	_ =	shalt  }
0x52: {  	_ =	shalt  }
0x53: {  	_ =	shalt  }
0x54: {  	_ =	shalt  }
0x55: {  	_ =	shalt  }
0x56: {  	_ =	shalt  }
0x57: {  	_ =	shalt  }
0x58: {  	_ =	shalt  }
0x59: {  	_ =	shalt  }
0x5a: {  	_ =	shalt  }
0x5b: {  	_ =	shalt  }
0x5c: {  	_ =	shalt  }
0x5d: {  	_ =	shalt  }
0x5e: {  	_ =	shalt  }
0x5f: {  	_ =	shalt  }
0x60: {  	_ =	shalt  }
0x61: {  	_ =	shalt  }
0x62: {  	_ =	shalt  }
0x63: {  	_ =	shalt  }
0x64: {  	_ =	shalt  }
0x65: {  	_ =	shalt  }
0x66: {  	_ =	shalt  }
0x67: {  	_ =	shalt  }
0x68: {  	_ =	shalt  }
0x69: {  	_ =	shalt  }
0x6a: {  	_ =	shalt  }
0x6b: {  	_ =	shalt  }
0x6c: {  	_ =	shalt  }
0x6d: {  	_ =	shalt  }
0x6e: {  	_ =	shalt  }
0x6f: {  	_ =	shalt  }
0x70: {  	_ =	shalt  }
0x71: {  	_ =	shalt  }
0x72: {  	_ =	shalt  }
0x73: {  	_ =	shalt  }
0x74: {  	_ =	shalt  }
0x75: {  	_ =	shalt  }
0x76: {  	_ =	shalt  }
0x77: {  	_ =	shalt  }
0x78: {  	_ =	shalt  }
0x79: {  	_ =	shalt  }
0x7a: {  	_ =	shalt  }
0x7b: {  	_ =	shalt  }
0x7c: {  	_ =	shalt  }
0x7d: {  	_ =	shalt  }
0x7e: {  	_ =	shalt  }
0x7f: {  	_ =	shalt  }
0x80: {  	_ =	shalt  }
0x81: {  	_ =	shalt  }
0x82: {  	_ =	shalt  }
0x83: {  	_ =	shalt  }
0x84: {  	_ =	shalt  }
0x85: {  	_ =	shalt  }
0x86: {  	_ =	shalt  }
0x87: {  	_ =	shalt  }
.Lfunc_end0:
.L_simem_size_0:
called_computation.2_lowered:
.L_overlay_start_0:
0x88: {  	s2 =	sld [smem:$0x3FD9]  }
0x89: {  	s3 =	sld [smem:$0x3FFE];
	_ =	sdelay $0x1  }
0x8a: {  	s1 =	srdreg.scid  }
0x8b: {  	s0 =	sand.u32 $0x1, s1  }
0x8c: {  	s16 =	sshll.u32 s0, $0xA;
	s2 =	sadd.s32 s3, s2  }
0x8d: {  	s2 =	sadd.s32 s2, s16  }
0x8e: {  	[smem:$0x3FBC] =	sst s2  }
0x8f: {  	_ = 	snop  }
0x90: {  	(tm) =	ssettm $0x1  }
0x91: {  	s17 =	sld [smem:$0x3FFB];
	_ =	sdelay $0x3  }
0x92: {  	_ =	strace s17  }
0x93: {  	s2 =	sld [smem:$0x3FFC];
	_ =	sdelay $0x3  }
0x94: {  	_ =	strace s2  }
0x95: {  	s2 =	sld [smem:$0x3FFD];
	_ =	sdelay $0x3  }
0x96: {  	_ =	strace s2  }
0x97: {  	_ =	strace $0x8FFFFFFF  }
0x98: {  	s18 =	sld [smem:$0x3FDB];
	_ =	sdelay $0x1  }
0x99: {  	s19 =	simm.s32 $_scs_section_size  }
0x9a: {  	s4 =	simm.s32 $_size__tile_overlayer_lowered;
	s5 =	simm.s32 $_tile_overlayer_lowered  }
0x9b: {  	s22 =	simm.s32 $0x1BFF;
	s21 =	sshll.u32 s5, $0x1;
	s2 =	sadd.s32 s19, s18  }
0x9c: {  	s6 =	simm.s32 $0x0;
	s20 =	sshll.u32 s4, $0x1;
	s4 =	sadd.s32 s21, s2  }
0x9d: {  	[timem:s6], [sflag:s22] =	dma.local [hbm:s4], s20  }
0x9e: {  	_ =	swait.ge [sflag:s22], s20  }
0x9f: {  	s3 =	ssub.s32 $0x0, s20;
	[sflag:s22] =	ssyncset.done $0x0  }
0xa0: {  	[sflag:s22] =	ssyncadd.s32 s3;
	_ =	sdelay $0x1  }
0xa1: {  	s23 =	simm.s32 $0x1B8B  }
0xa2: {  	_ =	swait.ge [sflag:s23], $0x1  }
0xa3: {  	[sflag:s23] =	ssyncset.done $0x0  }
0xa4: {  	s25 =	simm.s32 $0x1B8E;
	s24 =	sld [smem:$0x3FFE];
	[sflag:s23] =	ssyncadd.s32 $0xFFFFFFFF  }
0xa5: {  	s26 =	simm.s32 $execute0_lowered;
	[smem:$0x3FD2] =	sst s25  }
0xa6: {  	s4 =	sshll.u32 s26, $0x1;
	_ =	strace $0x8000004C;
	[dreg:$0x1] =	wrdreg $0xFFFFFFFF  }
0xa7: {  	s28 =	simm.s32 $_size_execute0_lowered;
	s2 =	sadd.s32 s2, s4;
	[dreg:$0x0] =	wrdreg $0x0  }
0xa8: {  	s4 =	sshll.u32 s28, $0x1;
	[dreg:$0x2] =	wrdreg s2  }
0xa9: {  	[dreg:$0x3] =	wrdreg s4  }
0xaa: {  	[dreg:$0x4] =	wrdreg $0xC0  }
0xab: {  	_ =	task [dreg:s6], $0x5FFFF  }
0xac: {  	[dreg:$0x1] =	wrdreg $0xFFFFFFFF  }
0xad: {  	[dreg:$0x0] =	wrdreg $0x60  }
0xae: {  	[dreg:$0x2] =	wrdreg s24  }
0xaf: {  	[dreg:$0x3] =	wrdreg $0x0  }
0xb0: {  	[dreg:$0x4] =	wrdreg $0x9  }
0xb1: {  	_ =	task.clear_ibuf [dreg:s6], $0x5FFFF;
	_ =	strace $0x9000004C  }
0xb2: {  	s29 =	simm.s32 $0x9;
	_ =	strace $0x8000004E  }
0xb3: {  	_ =	swait.ge [sflag:s29], $0x1  }
0xb4: {  	[sflag:s29] =	ssyncadd.s32 $0xFFFFFFFF  }
0xb5: {  	_ =	strace $0x9000004E  }
0xb6: {  	_ =	sfence  }
0xb7: {  	s30 =	sld [smem:$0x0];
	_ =	sdelay $0x2  }
0xb8: {  	s31 =	sshll.u32 s1, $0xD;
	s1 =	sshrl.u32 s1, $0x2  }
0xb9: {  	s3 =	sand.u32 $0x4000, s31;
	s1 =	sadd.s32 s1, s30  }
0xba: {  	s0 =	sor.u32 s3, s0;
	s1 =	sshll.u32 s1, $0x11  }
0xbb: {  	s0 =	sor.u32 s1, s0  }
0xbc: {  	s0 =	sadd.s32 $0x8F2B, s0  }
0xbd: {  	[sflag:s0] =	ssyncadd.remote.s32 $0x1  }
0xbe: {  	_ =	sfence.sel $0xFFFF  }
0xbf: {  	[dreg:$0x0] =	wrdreg $0xFFFFFFFF;
	(pc) =	sbr.abs _section_cstart, $3  }
0xc0: {  	[dreg:$0x1] =	wrdreg $0xFFFFFFFF  }
0xc1: {  	_ =	task.clear_ibuf [dreg:s6], $0x2FFFF;
	_ =	strace $0x9FFFFFFF  }
0xc2: {  	(tm) =	ssettm $0x7FFFFFFF  }
0xc3: {  	_ =	shalt  }
tec
execute0_lowered:
.L_overlay_start_1:
0x0: {  	(tag) =	ssettag $0x1  }
0x1: {  	s5 =	rddreg [dreg:$0x0]  }
0x2: {  	s2 =	rddreg [dreg:$0x1]  }
0x3: {  	s0 =	rddreg [dreg:$0x2];
	s4 =	srdreg.scid  }
0x4: {  	s1 =	stileid.u32;
	s3 =	simm.s32 $0x0;
	s15 =	simm.s32 $0x2  }
0x5: {  	s16 =	simm.s32 $0x14000;
	s17 =	simm.s32 $0x16800;
	s7 =	smul.u32 $0x2800, s1  }
0x6: {  	s18 =	simm.s32 $0x80;
	s19 =	simm.s32 $0x1;
	s10 =	smul.u32 $0x13C00, s1  }
0x7: {  	s21 =	simm.s32 $0x0;
	s6 =	sand.u32 $0x1, s4;
	s28 =	smul.u32 $0x50000, s1  }
0x8: {  	[smem:$0x7FF] =	sst s3;
	s4 =	sadd.s32 $0x17800, s5;
	s14 =	smul.u32 $0x4F000, s1  }
0x9: {  	s8 =	smul.u32 $0x13C000, s6;
	p0 =	seq.s32 s6, $0x0;
	s6 =	ssub.s32 $0x2, s6  }
0xa: {  	_ =	strace $0x8000004D;
	s9 =	sadd.s32 $0x28000, s7;
	s30 =	sshrl.u32 s6, $0x1  }
0xb: {  	s31 =	sshrl.u32 s28, $0x2;
	s14 =	sshrl.u32 s14, $0x2;
	s9 =	smov.u32 @p0 s7  }
0xc: {  	s8 =	sadd.s32 s10, s8;
	s13 =	ssub.s32 s6, s30;
	s20 =	sadd.s32 s14, s2  }
0xd: {  	s14 =	simm.s32 $0x19000;
	s7 =	sshrl.u32 s9, $0x3;
	s29 =	sshrl.u32 s8, $0x3  }
0xe: {  	s11 =	sadd.s32 s7, s5;
	s12 =	sadd.s32 s29, s5;
	s5 =	sadd.s32 s31, s2  }
0xf: {  	s13 =	smax.u32 s13, $0x1;
	s20 =	sshrl.u32 s20, $0x3;
	s6 =	sadd.s32 $0x4000, s5  }
0x10: {  	s7 =	sadd.s32 $0x8000, s5;
	s8 =	sadd.s32 $0xC000, s5;
	s9 =	sadd.s32 $0x10000, s5  }
0x11: {  	v0 =	vimm.f32 $0.0e+00;
	s10 =	sadd.s32 $0xD800, s11;
	s11 =	sadd.s32 $0x3800, s11;
	s12 =	sadd.s32 $0x3F000, s12  }
.LBB2_1:
0x12: {  	s22 =	sand.u32 $0xFE00, s3  }
0x13: {  	s23 =	sand.u32 $0x40, s3;
	s24 =	sshrl.u32 s22, $0x2  }
0x14: {  	s22 =	simm.s32 $0x0;
	s23 =	sor.u32 s23, s24  }
0x15: {  	s24 =	simm.s32 $0x0;
	s25 =	sadd.s32 $0x19000, s23;
	[tilespmem:s23+$0x19000] =	vst v0;
	s23 =	simm.s32 $0x0  }
.LBB2_2:
0x16: {  	s22 =	sadd.s32 $0x4, s22  }
0x17: {  	[tilespmem:s25+$0x30] =	vst v0;
	s23 =	sadd.s32 $0x40, s23;
	s24 =	sadd.s32 $0x100, s24;
	p0 =	slt.u32 s22, $0x3FC  }
.Ltmp0:
0x18: {  	[tilespmem:s25+$0x10] =	vst v0;
	(pc) =	sbr.rel @p0 .LBB2_2-.Ltmp0, $4  }
0x19: {  	s26 =	sand.u32 $0xFE00, s24;
	[tilespmem:s25+$0x20] =	vst v0  }
0x1a: {  	s25 =	sand.u32 $0x40, s23;
	s26 =	sshrl.u32 s26, $0x2  }
0x1b: {  	s26 =	sor.u32 s25, s26  }
0x1c: {  	s25 =	sadd.s32 $0x19000, s26;
	[tilespmem:s26+$0x19000] =	vst v0  }
0x1d: {  	[tilespmem:s25+$0x30] =	vst v0  }
0x1e: {  	[tilespmem:s25+$0x10] =	vst v0  }
0x1f: {  	[tilespmem:s25+$0x20] =	vst v0  }
0x20: {  	[spmem:s5] =	stream.linear.scatter [tilespmem:s14], [sflag:$0x2], $0x4000, $0x38;
	[tilespmem:$0x1D000] =	vst v63  }
0x21: {  	_ =	swait.ge [sflag:s15], $0x4000  }
0x22: {  	[sflag:s15] =	ssyncset.done $0x0  }
0x23: {  	[sflag:s15] =	ssyncadd.s32 $0xFFFFC000  }
0x24: {  	[spmem:s6] =	stream.linear.scatter [tilespmem:s14], [sflag:$0x2], $0x4000, $0x38;
	[tilespmem:$0x1D000] =	vst v63  }
0x25: {  	_ =	swait.ge [sflag:s15], $0x4000  }
0x26: {  	[sflag:s15] =	ssyncset.done $0x0  }
0x27: {  	[sflag:s15] =	ssyncadd.s32 $0xFFFFC000  }
0x28: {  	[spmem:s7] =	stream.linear.scatter [tilespmem:s14], [sflag:$0x2], $0x4000, $0x38;
	[tilespmem:$0x1D000] =	vst v63  }
0x29: {  	_ =	swait.ge [sflag:s15], $0x4000  }
0x2a: {  	[sflag:s15] =	ssyncset.done $0x0  }
0x2b: {  	[sflag:s15] =	ssyncadd.s32 $0xFFFFC000  }
0x2c: {  	[spmem:s8] =	stream.linear.scatter [tilespmem:s14], [sflag:$0x2], $0x4000, $0x38;
	[tilespmem:$0x1D000] =	vst v63  }
0x2d: {  	_ =	swait.ge [sflag:s15], $0x4000  }
0x2e: {  	[sflag:s15] =	ssyncset.done $0x0  }
0x2f: {  	[sflag:s15] =	ssyncadd.s32 $0xFFFFC000  }
0x30: {  	[spmem:s9] =	stream.linear.scatter [tilespmem:s14], [sflag:$0x2], $0x4000, $0x38;
	[tilespmem:$0x1D000] =	vst v63  }
0x31: {  	_ =	swait.ge [sflag:s15], $0x4000  }
0x32: {  	[sflag:s15] =	ssyncset.done $0x0  }
0x33: {  	s22 =	simm.s32 $0x0;
	[sflag:s15] =	ssyncadd.s32 $0xFFFFC000  }
0x34: {  	[tilespmem:s16], [sflag:$0x2] =	stream.linear.gather [hbm4b:s10+s22], $0x2800, $0x38;
	[tilespmem:$0x1D000] =	vst v63  }
0x35: {  	_ =	swait.ge [sflag:s15], $0x2800  }
0x36: {  	[sflag:s15] =	ssyncset.done $0x0  }
0x37: {  	[sflag:s15] =	ssyncadd.s32 $0xFFFFD800  }
0x38: {  	[tilespmem:s17], [sflag:$0x2] =	stream.linear.gather [hbm4b:s11+s22], $0x2800, $0x38;
	[tilespmem:$0x1D000] =	vst v63  }
0x39: {  	_ =	swait.ge [sflag:s15], $0x2800  }
0x3a: {  	[sflag:s15] =	ssyncset.done $0x0  }
0x3b: {  	[sflag:s15] =	ssyncadd.s32 $0xFFFFD800  }
0x3c: {  	s30 =	simm.s32 $0x14000;
	[bflag:$0x0] =	sbarrier.arrive $0xFFFF  }
0x3d: {  	[tilespmem:s14], [sflag:$0x1] =	stream.indirect.gather [hbm4b:s4+s18], $0x80, s30, s18, $0xb8;
	[tilespmem:$0x1D000] =	vst v63  }
0x3e: {  	_ =	swait.ge [sflag:s19], $0x4000  }
0x3f: {  	[sflag:s19] =	ssyncset.done $0x0  }
0x40: {  	s31 =	simm.s32 $0x16800;
	[sflag:s19] =	ssyncadd.s32 $0xFFFFC000  }
0x41: {  	[spmem:s2] =	stream.indirect.scatter.add.f32 [tilespmem:s14], [sflag:$0x2], $0x80, s31, s18, $0xb8;
	[tilespmem:$0x1D000] =	vst v63  }
0x42: {  	_ =	swait.ge [sflag:s15], $0x4000  }
0x43: {  	s23 =	simm.s32 $0x400;
	s22 =	simm.s32 $0x80;
	[sflag:s15] =	ssyncset.done $0x0  }
.LBB2_4:
0x44: {  	s24 =	sadd.s32 $0x14000, s22  }
0x45: {  	[sflag:s15] =	ssyncadd.s32 $0xFFFFC000;
	s25 =	smov.u32 s23;
	s26 =	sadd.s32 $0x200, s23  }
0x46: {  	[tilespmem:s14], [sflag:$0x1] =	stream.indirect.gather [hbm4b:s4+s18], $0x80, s24, s18, $0xb8;
	[tilespmem:$0x1D000] =	vst v63  }
0x47: {  	p0 =	sne.s32 s23, $0x9E00;
	_ =	swait.ge [sflag:s19], $0x4000  }
.Ltmp1:
0x48: {  	[sflag:s19] =	ssyncset.done $0x0;
	(pc) =	sbr.rel @p0 .LBB2_4-.Ltmp1, $4  }
0x49: {  	s22 =	sadd.s32 $0x16800, s22;
	[sflag:s19] =	ssyncadd.s32 $0xFFFFC000  }
0x4a: {  	[spmem:s2] =	stream.indirect.scatter.add.f32 [tilespmem:s14], [sflag:$0x2], $0x80, s22, s18, $0xb8;
	[tilespmem:$0x1D000] =	vst v63  }
0x4b: {  	_ =	swait.ge [sflag:s15], $0x4000  }
0x4c: {  	s23 =	smov.u32 s26;
	s22 =	sshra.s32 s25, $0x2;
	[sflag:s15] =	ssyncset.done $0x0  }
0x4d: {  	s23 =	sadd.s32 $0x14000, s22;
	[sflag:s15] =	ssyncadd.s32 $0xFFFFC000  }
0x4e: {  	[tilespmem:s14], [sflag:$0x1] =	stream.indirect.gather [hbm4b:s4+s18], $0x80, s23, s18, $0xb8;
	[tilespmem:$0x1D000] =	vst v63  }
0x4f: {  	_ =	swait.ge [sflag:s19], $0x4000  }
0x50: {  	[sflag:s19] =	ssyncset.done $0x0  }
0x51: {  	s30 =	sadd.s32 $0x16800, s22;
	[sflag:s19] =	ssyncadd.s32 $0xFFFFC000  }
0x52: {  	[spmem:s2] =	stream.indirect.scatter.add.f32 [tilespmem:s14], [sflag:$0x2], $0x80, s30, s18, $0xb8;
	[tilespmem:$0x1D000] =	vst v63  }
0x53: {  	_ =	swait.ge [sflag:s15], $0x4000  }
0x54: {  	s21 =	sadd.s32 $0x1, s21;
	[sflag:s15] =	ssyncset.done $0x0  }
0x55: {  	s31 =	sshll.u32 s1, $0x6;
	p0 =	sne.s32 s21, s13;
	[sflag:s15] =	ssyncadd.s32 $0xFFFFC000  }
.Ltmp2:
0x56: {  	s22 =	sor.u32 $0x1C02, s31;
	[bflag:$0x0] =	sbarrier.arrive $0xFFFF;
	(pc) =	sbr.rel @p0 .LBB2_1-.Ltmp2, $4  }
0x57: {  	[hbm:s12], [sflag:s22] =	dma.local [spmem:s20], $0x2780  }
0x58: {  	_ =	swait.ge [sflag:s15], $0x2780  }
0x59: {  	[sflag:s15] =	ssyncset.done $0x0  }
0x5a: {  	[sflag:s15] =	ssyncadd.s32 $0xFFFFD880  }
0x5b: {  	_ =	sfence.sel $0x180000  }
0x5c: {  	[bflag:$0x0] =	sbarrier.arrive $0xFFFF  }
0x5d: {  	p0 =	sne.s32 s1, $0x0;
	_ =	strace $0x9000004D  }
0x5e: {  	s0 =	sadd.s32 @!p0 $0x100000, s0;
	[bflag:$0x2] =	sbarrier.arrive $0xFFFF  }
0x5f: {  	[sflag:s0] =	ssyncadd.tile.s32 @!p0 $0x1;
	_ =	shalt  }
.Lfunc_end2:
_tile_overlayer_lowered:
.L_overlay_start_2:
0x60: {  	(tag) =	ssettag $0x2  }
0x61: {  	s0 =	rddreg [dreg:$0x0];
	s2 =	stileid.u32  }
0x62: {  	s1 =	rddreg [dreg:$0x1];
	p0 =	sne.s32 s2, $0x0  }
0x63: {  	s3 =	rddreg [dreg:$0x2];
	[bflag:$0x3] =	sbarrier.arrive $0xFFFF;
	s2 =	simm.s32 @!p0 $0x1C02  }
0x64: {  	[timem:s3], [sflag:s2] =	dma.local @!p0 [hbm:s0], s1  }
0x65: {  	s0 =	simm.s32 @!p0 $0x2  }
0x66: {  	_ =	swait.ge @!p0 [sflag:s0], s1  }
0x67: {  	s1 =	ssub.s32 @!p0 $0x0, s1;
	[sflag:s0] =	ssyncset.done @!p0 $0x0  }
0x68: {  	[sflag:s0] =	ssyncadd.s32 @!p0 s1  }
0x69: {  	[bflag:$0x3] =	sbarrier.arrive $0xFFFF  }
0x6a: {  	_ =	shalt  }

// kernel: kernel.8.cloned.1.call-start
scs
__scs_entry_jumppad:
0x0: {  	(pc) =	sbr.rel $0x88, $3  }
0x1: {  	(tag) =	ssettag $0x0;
	lr =	simm.s32 $0x1  }
0x2: {  	[smem:$0x3F95] =	sst lr;
	_ =	strace $0xD0000000  }
0x3: {  	_ = 	snop  }
0x4: {  	_ = 	snop  }
0x5: {  	_ = 	snop  }
0x6: {  	_ = 	snop  }
0x7: {  	_ = 	snop  }
__scs_overlays_trampoline_lowered:
0x8: {  	[smem:$0x3FA4] =	sst s0  }
0x9: {  	[smem:$0x3FA5] =	sst s1  }
0xa: {  	[smem:$0x3FA6] =	sst s2  }
0xb: {  	[smem:$0x3FA7] =	sst s3  }
0xc: {  	[smem:$0x3FA8] =	sst s4  }
0xd: {  	[smem:$0x3FA9] =	sst s5  }
0xe: {  	[smem:$0x3FAA] =	sst s6  }
0xf: {  	[smem:$0x3FAB] =	sst s7  }
0x10: {  	[smem:$0x3FAC] =	sst s8  }
0x11: {  	[smem:$0x3FAD] =	sst s9;
	s0 =	simm.s32 @!p0 $0x0  }
0x12: {  	s1 =	sld [smem:$0x3F93];
	s0 =	simm.s32 @p0 $0x1  }
0x13: {  	[smem:$0x3FAE] =	sst s0;
	s0 =	simm.s32 @!p1 $0x0  }
0x14: {  	s2 =	sld [smem:$0x3F92];
	s0 =	simm.s32 @p1 $0x1  }
0x15: {  	[smem:$0x3FAF] =	sst s0;
	s0 =	simm.s32 @!p2 $0x0  }
0x16: {  	s3 =	sld [smem:$0x3FDB];
	s0 =	simm.s32 @p2 $0x1  }
0x17: {  	s4 =	simm.s32 $0x1BF5;
	[smem:$0x3FB1] =	sst s0  }
0x18: {  	s0 =	sld [smem:$0x3F94];
	_ =	swait.ge [sflag:s4], $0x0  }
0x19: {  	s7 =	sld [smem:$0x3F95]  }
0x1a: {  	s8 =	sadd.s32 $0xFFFFE003, lr  }
0x1b: {  	s9 =	sadd.s32 $0xFFFFFEF7, lr;
	s5 =	simm.s32 $0xFFFFFFFF;
	p2 =	slt.u32 s8, $0xFFFFF086  }
0x1c: {  	p1 =	slt.u32 s9, $0xF7A;
	s5 =	simm.s32 @!p2 $0x0  }
0x1d: {  	s5 =	simm.s32 @p1 $0x1;
	p0 =	seq.s32 s7, s2  }
0x1e: {  	s7 =	smul.u32 @!p0 $0xF7A, s2;
	p2 =	seq.s32 @!p0 s5, $0x0  }
0x1f: {  	s9 =	smul.u32 $0xF7A, s1;
	s8 =	simm.s32 @!p0 $0x1BF5;
	p2 =	por !p2, p0  }
0x20: {  	[sflag:s8] =	ssyncset.s32 @!p0 $0xFFFFF086;
	s6 =	sadd.s32 @!p0 s3, s7;
	s7 =	simm.s32 @!p0 $0x108  }
0x21: {  	s3 =	sadd.s32 s3, s9;
	s6 =	sadd.s32 @!p0 $0x88, s6;
	s7 =	simm.s32 @p2 $0x1082  }
0x22: {  	[simem:s7], [sflag:s8] =	dma.local @!p0 [hbm:s6], $0xF7A  }
0x23: {  	s9 =	sor.u32 $0xD0000000, s2;
	s6 =	simm.s32 $0x108;
	_ =	swait.ge @!p0 [sflag:s8], $0x0  }
0x24: {  	s3 =	sadd.s32 $0x88, s3;
	s6 =	simm.s32 @!p1 $0x1082;
	[sflag:s4] =	ssyncset.s32 $0xFFFFF086  }
0x25: {  	[simem:s6], [sflag:s4] =	dma.local [hbm:s3], $0xF7A  }
0x26: {  	[smem:$0x3F95] =	sst s1;
	(tag) =	ssettag s2;
	_ =	strace s9  }
0x27: {  	s1 =	sld [smem:$0x3FA5]  }
0x28: {  	s2 =	sld [smem:$0x3FA6]  }
0x29: {  	s4 =	sld [smem:$0x3FA8]  }
0x2a: {  	p0 =	seq.s32 s5, $0x0;
	s5 =	sld [smem:$0x3FA9]  }
0x2b: {  	s6 =	sld [smem:$0x3FAA]  }
0x2c: {  	s7 =	sld [smem:$0x3FAB]  }
0x2d: {  	s3 =	simm.s32 $0x108;
	s8 =	sld [smem:$0x3FAC]  }
0x2e: {  	s3 =	simm.s32 @!p0 $0x1082;
	s9 =	sld [smem:$0x3FAD]  }
0x2f: {  	lr =	sadd.s32 s0, s3;
	s0 =	sld [smem:$0x3FA4]  }
0x30: {  	s3 =	sld [smem:$0x3FA7]  }
0x31: {  	[smem:$0x3FB0] =	sst s10  }
0x32: {  	s10 =	sld [smem:$0x3FAE];
	_ =	sdelay $0x3  }
0x33: {  	p0 =	seq.s32 s10, $0x1;
	s10 =	sld [smem:$0x3FB0];
	_ =	sdelay $0x3  }
0x34: {  	[smem:$0x3FB0] =	sst s10  }
0x35: {  	s10 =	sld [smem:$0x3FAF];
	_ =	sdelay $0x3  }
0x36: {  	p1 =	seq.s32 s10, $0x1;
	s10 =	sld [smem:$0x3FB0];
	_ =	sdelay $0x3  }
0x37: {  	[smem:$0x3FB0] =	sst s10  }
0x38: {  	s10 =	sld [smem:$0x3FB1]  }
0x39: {  	_ = 	snop;
	(pc) =	sbr.ind lr, $3  }
0x3a: {  	_ = 	snop  }
0x3b: {  	_ = 	snop  }
0x3c: {  	p2 =	seq.s32 s10, $0x1;
	s10 =	sld [smem:$0x3FB0]  }
0x3d: {  	_ =	shalt  }
0x3e: {  	_ =	shalt  }
0x3f: {  	_ =	shalt  }
0x40: {  	_ =	shalt  }
0x41: {  	_ =	shalt  }
0x42: {  	_ =	shalt  }
0x43: {  	_ =	shalt  }
0x44: {  	_ =	shalt  }
0x45: {  	_ =	shalt  }
0x46: {  	_ =	shalt  }
0x47: {  	_ =	shalt  }
0x48: {  	_ =	shalt  }
0x49: {  	_ =	shalt  }
0x4a: {  	_ =	shalt  }
0x4b: {  	_ =	shalt  }
0x4c: {  	_ =	shalt  }
0x4d: {  	_ =	shalt  }
0x4e: {  	_ =	shalt  }
0x4f: {  	_ =	shalt  }
0x50: {  	_ =	shalt  }
0x51: {  	_ =	shalt  }
0x52: {  	_ =	shalt  }
0x53: {  	_ =	shalt  }
0x54: {  	_ =	shalt  }
0x55: {  	_ =	shalt  }
0x56: {  	_ =	shalt  }
0x57: {  	_ =	shalt  }
0x58: {  	_ =	shalt  }
0x59: {  	_ =	shalt  }
0x5a: {  	_ =	shalt  }
0x5b: {  	_ =	shalt  }
0x5c: {  	_ =	shalt  }
0x5d: {  	_ =	shalt  }
0x5e: {  	_ =	shalt  }
0x5f: {  	_ =	shalt  }
0x60: {  	_ =	shalt  }
0x61: {  	_ =	shalt  }
0x62: {  	_ =	shalt  }
0x63: {  	_ =	shalt  }
0x64: {  	_ =	shalt  }
0x65: {  	_ =	shalt  }
0x66: {  	_ =	shalt  }
0x67: {  	_ =	shalt  }
0x68: {  	_ =	shalt  }
0x69: {  	_ =	shalt  }
0x6a: {  	_ =	shalt  }
0x6b: {  	_ =	shalt  }
0x6c: {  	_ =	shalt  }
0x6d: {  	_ =	shalt  }
0x6e: {  	_ =	shalt  }
0x6f: {  	_ =	shalt  }
0x70: {  	_ =	shalt  }
0x71: {  	_ =	shalt  }
0x72: {  	_ =	shalt  }
0x73: {  	_ =	shalt  }
0x74: {  	_ =	shalt  }
0x75: {  	_ =	shalt  }
0x76: {  	_ =	shalt  }
0x77: {  	_ =	shalt  }
0x78: {  	_ =	shalt  }
0x79: {  	_ =	shalt  }
0x7a: {  	_ =	shalt  }
0x7b: {  	_ =	shalt  }
0x7c: {  	_ =	shalt  }
0x7d: {  	_ =	shalt  }
0x7e: {  	_ =	shalt  }
0x7f: {  	_ =	shalt  }
0x80: {  	_ =	shalt  }
0x81: {  	_ =	shalt  }
0x82: {  	_ =	shalt  }
0x83: {  	_ =	shalt  }
0x84: {  	_ =	shalt  }
0x85: {  	_ =	shalt  }
0x86: {  	_ =	shalt  }
0x87: {  	_ =	shalt  }
.Lfunc_end0:
.L_simem_size_0:
called_computation_lowered:
.L_overlay_start_0:
0x88: {  	s2 =	sld [smem:$0x3FD9]  }
0x89: {  	s3 =	sld [smem:$0x3FFE];
	_ =	sdelay $0x1  }
0x8a: {  	s1 =	srdreg.scid  }
0x8b: {  	s0 =	sand.u32 $0x1, s1  }
0x8c: {  	s16 =	sshll.u32 s0, $0xA;
	s2 =	sadd.s32 s3, s2  }
0x8d: {  	s2 =	sadd.s32 s2, s16  }
0x8e: {  	[smem:$0x3FBC] =	sst s2  }
0x8f: {  	_ = 	snop  }
0x90: {  	(tm) =	ssettm $0x1  }
0x91: {  	s17 =	sld [smem:$0x3FFB];
	_ =	sdelay $0x3  }
0x92: {  	_ =	strace s17  }
0x93: {  	s2 =	sld [smem:$0x3FFC];
	_ =	sdelay $0x3  }
0x94: {  	_ =	strace s2  }
0x95: {  	s2 =	sld [smem:$0x3FFD];
	_ =	sdelay $0x3  }
0x96: {  	_ =	strace s2  }
0x97: {  	_ =	strace $0x8FFFFFFF  }
0x98: {  	s18 =	sld [smem:$0x3FDB];
	_ =	sdelay $0x1  }
0x99: {  	s19 =	simm.s32 $_scs_section_size  }
0x9a: {  	s4 =	simm.s32 $_size__tile_overlayer_lowered;
	s5 =	simm.s32 $_tile_overlayer_lowered  }
0x9b: {  	s22 =	simm.s32 $0x1BFF;
	s21 =	sshll.u32 s5, $0x1;
	s2 =	sadd.s32 s19, s18  }
0x9c: {  	s6 =	simm.s32 $0x0;
	s20 =	sshll.u32 s4, $0x1;
	s4 =	sadd.s32 s21, s2  }
0x9d: {  	[timem:s6], [sflag:s22] =	dma.local [hbm:s4], s20  }
0x9e: {  	_ =	swait.ge [sflag:s22], s20  }
0x9f: {  	s3 =	ssub.s32 $0x0, s20;
	[sflag:s22] =	ssyncset.done $0x0  }
0xa0: {  	[sflag:s22] =	ssyncadd.s32 s3;
	_ =	sdelay $0x1  }
0xa1: {  	s23 =	simm.s32 $0x1B8B  }
0xa2: {  	_ =	swait.ge [sflag:s23], $0x1  }
0xa3: {  	[sflag:s23] =	ssyncset.done $0x0  }
0xa4: {  	s25 =	simm.s32 $0x1B8E;
	s24 =	sld [smem:$0x3FFE];
	[sflag:s23] =	ssyncadd.s32 $0xFFFFFFFF  }
0xa5: {  	s26 =	simm.s32 $execute0_lowered;
	[smem:$0x3FD2] =	sst s25  }
0xa6: {  	s4 =	sshll.u32 s26, $0x1;
	_ =	strace $0x80000046;
	[dreg:$0x1] =	wrdreg $0xFFFFFFFF  }
0xa7: {  	s28 =	simm.s32 $_size_execute0_lowered;
	s2 =	sadd.s32 s2, s4;
	[dreg:$0x0] =	wrdreg $0x0  }
0xa8: {  	s4 =	sshll.u32 s28, $0x1;
	[dreg:$0x2] =	wrdreg s2  }
0xa9: {  	[dreg:$0x3] =	wrdreg s4  }
0xaa: {  	[dreg:$0x4] =	wrdreg $0xC0  }
0xab: {  	_ =	task [dreg:s6], $0x5FFFF  }
0xac: {  	[dreg:$0x1] =	wrdreg $0xFFFFFFFF  }
0xad: {  	[dreg:$0x0] =	wrdreg $0x60  }
0xae: {  	[dreg:$0x2] =	wrdreg s24  }
0xaf: {  	[dreg:$0x3] =	wrdreg $0x0  }
0xb0: {  	[dreg:$0x4] =	wrdreg $0x9  }
0xb1: {  	_ =	task.clear_ibuf [dreg:s6], $0x5FFFF;
	_ =	strace $0x90000046  }
0xb2: {  	s29 =	simm.s32 $0x9;
	_ =	strace $0x80000048  }
0xb3: {  	_ =	swait.ge [sflag:s29], $0x1  }
0xb4: {  	[sflag:s29] =	ssyncadd.s32 $0xFFFFFFFF  }
0xb5: {  	_ =	strace $0x90000048  }
0xb6: {  	_ =	sfence  }
0xb7: {  	s30 =	sld [smem:$0x0];
	_ =	sdelay $0x2  }
0xb8: {  	s31 =	sshll.u32 s1, $0xD;
	s1 =	sshrl.u32 s1, $0x2  }
0xb9: {  	s3 =	sand.u32 $0x4000, s31;
	s1 =	sadd.s32 s1, s30  }
0xba: {  	s0 =	sor.u32 s3, s0;
	s1 =	sshll.u32 s1, $0x11  }
0xbb: {  	s0 =	sor.u32 s1, s0  }
0xbc: {  	s0 =	sadd.s32 $0x8F2B, s0  }
0xbd: {  	[sflag:s0] =	ssyncadd.remote.s32 $0x1  }
0xbe: {  	_ =	sfence.sel $0xFFFF  }
0xbf: {  	[dreg:$0x0] =	wrdreg $0xFFFFFFFF;
	(pc) =	sbr.abs _section_cstart, $3  }
0xc0: {  	[dreg:$0x1] =	wrdreg $0xFFFFFFFF  }
0xc1: {  	_ =	task.clear_ibuf [dreg:s6], $0x2FFFF;
	_ =	strace $0x9FFFFFFF  }
0xc2: {  	(tm) =	ssettm $0x7FFFFFFF  }
0xc3: {  	_ =	shalt  }
tec
execute0_lowered:
.L_overlay_start_1:
0x0: {  	(tag) =	ssettag $0x1  }
0x1: {  	s0 =	srdreg.scid;
	s4 =	rddreg [dreg:$0x0]  }
0x2: {  	s11 =	stileid.u32;
	s1 =	rddreg [dreg:$0x1]  }
0x3: {  	s2 =	simm.s32 $0x0;
	s9 =	simm.s32 $0x280;
	s10 =	simm.s32 $0x80  }
0x4: {  	s13 =	simm.s32 $0x0;
	s3 =	sand.u32 $0x1, s0;
	s0 =	rddreg [dreg:$0x2]  }
0x5: {  	[smem:$0x7FF] =	sst s2;
	s7 =	smul.u32 $0xA00, s11;
	p0 =	sne.s32 s11, $0x0  }
0x6: {  	s5 =	sshll.u32 s3, $0x4;
	s3 =	ssub.s32 $0x2, s3;
	_ =	strace $0x80000047  }
0x7: {  	s12 =	sshrl.u32 @!p0 s1, $0x3;
	s6 =	sor.u32 s11, s5;
	s8 =	sshrl.u32 s3, $0x1  }
0x8: {  	s5 =	sadd.s32 s5, s4;
	s31 =	sshrl.u32 s7, $0x2;
	s6 =	smul.u32 $0x500, s6  }
0x9: {  	s7 =	simm.s32 $0x2B00;
	s11 =	simm.s32 $0x2A80;
	s8 =	ssub.s32 s3, s8  }
0xa: {  	s3 =	sadd.s32 s31, s1;
	s5 =	sadd.s32 $0x17800, s5;
	s6 =	sadd.s32 s6, s4  }
0xb: {  	v0 =	vimm.f32 $0.0e+00;
	v1 =	vimm.f32 $1.000000000e+00;
	s4 =	sadd.s32 $0x3800, s6;
	s6 =	smax.u32 s8, $0x1;
	s8 =	simm.s32 $0x1  }
.LBB2_1:
0xc: {  	[tilespmem:$0x2B00] =	vst v0  }
0xd: {  	[tilespmem:$0x2B10] =	vst v0  }
0xe: {  	[tilespmem:$0x2B20] =	vst v0  }
0xf: {  	[tilespmem:$0x2B30] =	vst v0  }
0x10: {  	[tilespmem:$0x2B40] =	vst v0  }
0x11: {  	[tilespmem:$0x2B50] =	vst v0  }
0x12: {  	[tilespmem:$0x2B60] =	vst v0  }
0x13: {  	[tilespmem:$0x2B70] =	vst v0  }
0x14: {  	[tilespmem:$0x2B80] =	vst v0  }
0x15: {  	[tilespmem:$0x2B90] =	vst v0  }
0x16: {  	[tilespmem:$0x2BA0] =	vst v0  }
0x17: {  	[tilespmem:$0x2BB0] =	vst v0  }
0x18: {  	[tilespmem:$0x2BC0] =	vst v0  }
0x19: {  	[tilespmem:$0x2BD0] =	vst v0  }
0x1a: {  	[tilespmem:$0x2BE0] =	vst v0  }
0x1b: {  	[tilespmem:$0x2BF0] =	vst v0  }
0x1c: {  	[tilespmem:$0x2C00] =	vst v0  }
0x1d: {  	[tilespmem:$0x2C10] =	vst v0  }
0x1e: {  	[tilespmem:$0x2C20] =	vst v0  }
0x1f: {  	[tilespmem:$0x2C30] =	vst v0  }
0x20: {  	[tilespmem:$0x2C40] =	vst v0  }
0x21: {  	[tilespmem:$0x2C50] =	vst v0  }
0x22: {  	[tilespmem:$0x2C60] =	vst v0  }
0x23: {  	[tilespmem:$0x2C70] =	vst v0  }
0x24: {  	[tilespmem:$0x2C80] =	vst v0  }
0x25: {  	[tilespmem:$0x2C90] =	vst v0  }
0x26: {  	[tilespmem:$0x2CA0] =	vst v0  }
0x27: {  	[tilespmem:$0x2CB0] =	vst v0  }
0x28: {  	[tilespmem:$0x2CC0] =	vst v0  }
0x29: {  	[tilespmem:$0x2CD0] =	vst v0  }
0x2a: {  	[tilespmem:$0x2CE0] =	vst v0  }
0x2b: {  	[tilespmem:$0x2CF0] =	vst v0  }
0x2c: {  	[tilespmem:$0x2D00] =	vst v0  }
0x2d: {  	[tilespmem:$0x2D10] =	vst v0  }
0x2e: {  	[tilespmem:$0x2D20] =	vst v0  }
0x2f: {  	[tilespmem:$0x2D30] =	vst v0  }
0x30: {  	[tilespmem:$0x2D40] =	vst v0  }
0x31: {  	[tilespmem:$0x2D50] =	vst v0  }
0x32: {  	[tilespmem:$0x2D60] =	vst v0  }
0x33: {  	[tilespmem:$0x2D70] =	vst v0  }
0x34: {  	[tilespmem:$0x2A80] =	vst v1  }
0x35: {  	[tilespmem:$0x2A90] =	vst v1  }
0x36: {  	[tilespmem:$0x2AA0] =	vst v1  }
0x37: {  	[tilespmem:$0x2AB0] =	vst v1  }
0x38: {  	[tilespmem:$0x2AC0] =	vst v1  }
0x39: {  	[tilespmem:$0x2AD0] =	vst v1  }
0x3a: {  	[tilespmem:$0x2AE0] =	vst v1  }
0x3b: {  	[tilespmem:$0x2AF0] =	vst v1  }
0x3c: {  	[spmem:s3] =	stream.linear.scatter [tilespmem:s7], [sflag:$0x1], $0x280, $0x38;
	[tilespmem:$0x2D80] =	vst v63  }
0x3d: {  	_ =	swait.ge [sflag:s8], $0x280  }
0x3e: {  	[sflag:s8] =	ssyncset.done $0x0  }
0x3f: {  	[sflag:s8] =	ssyncadd.s32 $0xFFFFFD80  }
0x40: {  	[bflag:$0x0] =	sbarrier.arrive $0xFFFF  }
0x41: {  	[tilespmem:s9], [sflag:$0x1] =	stream.linear.gather [hbm4b:s4+s2], $0x2800, $0x38;
	[tilespmem:$0x2D80] =	vst v63  }
0x42: {  	_ =	swait.ge [sflag:s8], $0x2800  }
0x43: {  	[sflag:s8] =	ssyncset.done $0x0  }
0x44: {  	s14 =	simm.s32 $0x280;
	[sflag:s8] =	ssyncadd.s32 $0xFFFFD800  }
0x45: {  	[spmem:s1] =	stream.indirect.scatter.add.f32 [tilespmem:s11], [sflag:$0x1], $0x1, s14, s10, $0xb8;
	[tilespmem:$0x2D80] =	vst v63  }
0x46: {  	s14 =	simm.s32 $0x200;
	_ =	swait.ge [sflag:s8], $0x80  }
.LBB2_2:
0x47: {  	s15 =	sshra.s32 s14, $0x2;
	[sflag:s8] =	ssyncset.done $0x0;
	p1 =	sne.s32 s14, $0x9E00  }
.Ltmp0:
0x48: {  	s15 =	sadd.s32 $0x280, s15;
	[sflag:s8] =	ssyncadd.s32 $0xFFFFFF80;
	(pc) =	sbr.rel @p1 .LBB2_2-.Ltmp0, $3  }
0x49: {  	[spmem:s1] =	stream.indirect.scatter.add.f32 [tilespmem:s11], [sflag:$0x1], $0x1, s15, s10, $0xb8;
	[tilespmem:$0x2D80] =	vst v63  }
0x4a: {  	s14 =	sadd.s32 $0x200, s14;
	_ =	sdelay $0x1  }
0x4b: {  	_ =	swait.ge [sflag:s8], $0x80  }
0x4c: {  	[sflag:s8] =	ssyncset.done $0x0  }
0x4d: {  	s14 =	simm.s32 @!p0 $0x1;
	s15 =	simm.s32 @!p0 $0x20;
	s13 =	sadd.s32 $0x1, s13  }
0x4e: {  	s16 =	simm.s32 @!p0 $0x10;
	[sflag:s8] =	ssyncadd.s32 $0xFFFFFF80;
	p1 =	sne.s32 s13, s6  }
.Ltmp1:
0x4f: {  	s17 =	simm.s32 @!p0 $0x1C01;
	[bflag:$0x0] =	sbarrier.arrive $0xFFFF;
	(pc) =	sbr.rel @p1 .LBB2_1-.Ltmp1, $4  }
0x50: {  	[hbm:s5@s15], [sflag:s17] =	dma.strided @!p0 [spmem:s12@s16], $0x4F0, s14, $0x10   }
0x51: {  	_ =	swait.ge @!p0 [sflag:s14], $0x4F0  }
0x52: {  	[sflag:s14] =	ssyncset.done @!p0 $0x0  }
0x53: {  	[sflag:s14] =	ssyncadd.s32 @!p0 $0xFFFFFB10  }
0x54: {  	_ =	sfence.sel $0x180000  }
0x55: {  	[bflag:$0x0] =	sbarrier.arrive $0xFFFF  }
0x56: {  	_ =	strace $0x90000047  }
0x57: {  	s0 =	sadd.s32 @!p0 $0x100000, s0;
	[bflag:$0x2] =	sbarrier.arrive $0xFFFF  }
0x58: {  	[sflag:s0] =	ssyncadd.tile.s32 @!p0 $0x1;
	_ =	shalt  }
.Lfunc_end2:
_tile_overlayer_lowered:
.L_overlay_start_2:
0x59: {  	(tag) =	ssettag $0x2  }
0x5a: {  	s0 =	rddreg [dreg:$0x0];
	s2 =	stileid.u32  }
0x5b: {  	s1 =	rddreg [dreg:$0x1];
	p0 =	sne.s32 s2, $0x0  }
0x5c: {  	s3 =	rddreg [dreg:$0x2];
	[bflag:$0x3] =	sbarrier.arrive $0xFFFF;
	s2 =	simm.s32 @!p0 $0x1C01  }
0x5d: {  	[timem:s3], [sflag:s2] =	dma.local @!p0 [hbm:s0], s1  }
0x5e: {  	s0 =	simm.s32 @!p0 $0x1  }
0x5f: {  	_ =	swait.ge @!p0 [sflag:s0], s1  }
0x60: {  	s1 =	ssub.s32 @!p0 $0x0, s1;
	[sflag:s0] =	ssyncset.done @!p0 $0x0  }
0x61: {  	[sflag:s0] =	ssyncadd.s32 @!p0 s1  }
0x62: {  	[bflag:$0x3] =	sbarrier.arrive $0xFFFF  }
0x63: {  	_ =	shalt  }

</sc_bundles>
